<compile_context>
chip_gen: v7x
topology: tpu7x:2x2x1
jax: 0.10.2.dev20260603
libtpu: 0.0.44.dev20260713+nightly
codegen_flags: <defaults>
</compile_context>

<pallas_src>
import jax
import jax.numpy as jnp
from jax import lax
from jax.experimental import pallas as pl
from jax.experimental.pallas import tpu as pltpu
from jax.experimental.pallas import tpu_sc as plsc

_N = 100000
_NW = 16
_CHUNK = 6240
_VREGS = _CHUNK // 16
_TAIL_BASE = _NW * _CHUNK
_TAIL_VREGS = (_N - _TAIL_BASE) // 16

_F32 = jnp.float32
_I32 = jnp.int32


def _sqrt_f32(v):
    bits = plsc.bitcast(v, _I32)
    seed = plsc.bitcast(jnp.int32(0x5F3759DF) - lax.shift_right_logical(bits, 1), _F32)
    y = seed
    half = v * 0.5
    for _ in range(3):
        y = y * (1.5 - half * y * y)
    return v * y


_UNROLL = 13
assert _VREGS % _UNROLL == 0


def _idloss_body(pred_hbm, tgt_hbm, out_hbm,
                 predv, tgtv, xtrx, xtrt,
                 acc_s, acc_q, acc_c, combv, stage, outv, shared,
                 semA, semB, semT):
    wid = lax.axis_index("s")
    lane = lax.iota(_I32, 16)
    lane_base = lane * 16
    zeros16 = jnp.zeros((16,), _F32)
    ones16 = jnp.ones((16,), _F32)

    base = wid * _CHUNK
    half = _CHUNK // 2
    toff = _TAIL_BASE + wid * 16
    cpa1 = pltpu.async_copy(pred_hbm.at[pl.ds(base, half)],
                            predv.at[pl.ds(0, half)], semA)
    cpa2 = pltpu.async_copy(tgt_hbm.at[pl.ds(base, half)],
                            tgtv.at[pl.ds(0, half)], semA)

    @pl.when(wid < _TAIL_VREGS)
    def _():
        pltpu.async_copy(pred_hbm.at[pl.ds(toff, 16)], xtrx, semT)
        pltpu.async_copy(tgt_hbm.at[pl.ds(toff, 16)], xtrt, semT)

    for b in range(16):
        acc_s[pl.ds(b * 16, 16)] = zeros16
        acc_q[pl.ds(b * 16, 16)] = zeros16
        acc_c[pl.ds(b * 16, 16)] = zeros16

    def scat(x, t):
        idx = lane_base + t
        plsc.addupdate_scatter(acc_s, [idx], x)
        plsc.addupdate_scatter(acc_q, [idx], x * x)
        plsc.addupdate_scatter(acc_c, [idx], ones16)

    cpa1.wait()
    cpa2.wait()

    cpb1 = pltpu.async_copy(pred_hbm.at[pl.ds(base + half, half)],
                            predv.at[pl.ds(half, half)], semB)
    cpb2 = pltpu.async_copy(tgt_hbm.at[pl.ds(base + half, half)],
                            tgtv.at[pl.ds(half, half)], semB)

    @plsc.parallel_loop(0, _VREGS // 2, 1, unroll=_UNROLL)
    def _(k):
        o = k * 16
        scat(predv[pl.ds(o, 16)], tgtv[pl.ds(o, 16)])

    cpb1.wait()
    cpb2.wait()

    @plsc.parallel_loop(_VREGS // 2, _VREGS, 1, unroll=_UNROLL)
    def _(k):
        o = k * 16
        scat(predv[pl.ds(o, 16)], tgtv[pl.ds(o, 16)])

    @pl.when(wid < _TAIL_VREGS)
    def _():
        pltpu.make_async_copy(pred_hbm.at[pl.ds(toff, 16)], xtrx, semT).wait()
        pltpu.make_async_copy(tgt_hbm.at[pl.ds(toff, 16)], xtrt, semT).wait()
        scat(xtrx[...], xtrt[...])

    s16 = zeros16
    q16 = zeros16
    c16 = zeros16
    for l in range(16):
        s16 = s16 + acc_s[pl.ds(l * 16, 16)]
        q16 = q16 + acc_q[pl.ds(l * 16, 16)]
        c16 = c16 + acc_c[pl.ds(l * 16, 16)]
    stage[pl.ds(0, 16)] = s16
    stage[pl.ds(16, 16)] = q16
    stage[pl.ds(32, 16)] = c16
    pltpu.sync_copy(stage, shared.at[pl.ds(wid * 48, 48)])
    plsc.subcore_barrier()

    @pl.when(wid == 0)
    def _():
        pltpu.sync_copy(shared, combv)

        S = zeros16
        Q = zeros16
        C = zeros16
        for w in range(16):
            S = S + combv[pl.ds(w * 48, 16)]
            Q = Q + combv[pl.ds(w * 48 + 16, 16)]
            C = C + combv[pl.ds(w * 48 + 32, 16)]

        M = S / C
        SSQ = Q - C * M * M
        SSQ = jnp.where(SSQ < 0.0, zeros16, SSQ)
        VAR = SSQ / (C - 1.0)
        STD = _sqrt_f32(VAR)

        s_nan = STD != STD
        c_pos = C > 0.0

        def pair_one(i, tot, cnt):
            bidx = jnp.full((16,), i, _I32)
            pi = M.at[bidx].get(mode="promise_in_bounds")
            si = STD.at[bidx].get(mode="promise_in_bounds")
            ci = C.at[bidx].get(mode="promise_in_bounds")
            vd = M - pi
            dn = jnp.abs(vd)
            vdir = vd / dn
            ii_ = jnp.where(si != si, zeros16, jnp.abs(si * vdir))
            jj_ = jnp.where(s_nan, zeros16, jnp.abs(STD * vdir))
            viou = (ii_ + jj_) / (dn + ii_ + jj_)
            valid = jnp.logical_and(jnp.logical_and(ci > 0.0, c_pos), lane > i)
            tot = tot + jnp.where(valid, viou, zeros16)
            cnt = cnt + jnp.where(valid, ones16, zeros16)
            return tot, cnt

        def pair_body(g, carry):
            tot, cnt = carry
            for u in range(4):
                tot, cnt = pair_one(g * 4 + u, tot, cnt)
            return tot, cnt

        tot, cnt = lax.fori_loop(0, 4, pair_body, (zeros16, zeros16))

        vd16 = 0.0 - M
        dn16 = jnp.abs(vd16)
        vdir16 = vd16 / dn16
        ii16 = jnp.where(s_nan, zeros16, jnp.abs(STD * vdir16))
        jj16 = jnp.abs(0.0 * vdir16)
        viou16 = (ii16 + jj16) / (dn16 + ii16 + jj16)
        tot = tot + jnp.where(c_pos, viou16, zeros16)
        cnt = cnt + jnp.where(c_pos, ones16, zeros16)

        tot_v = jnp.full((16,), jnp.sum(tot), _F32)
        cnt_v = jnp.full((16,), jnp.sum(cnt), _F32)
        outv[...] = tot_v / cnt_v
        pltpu.sync_copy(outv.at[pl.ds(0, 1)], out_hbm)


@jax.jit
def _idloss(pred_id, target_id):
    mesh = plsc.VectorSubcoreMesh(core_axis_name="c", subcore_axis_name="s",
                                  num_cores=1)
    out = pl.kernel(
        _idloss_body,
        mesh=mesh,
        compiler_params=pltpu.CompilerParams(needs_layout_passes=False),
        out_type=jax.ShapeDtypeStruct((1,), _F32),
        scratch_types=[
            pltpu.VMEM((_CHUNK,), _F32),
            pltpu.VMEM((_CHUNK,), _I32),
            pltpu.VMEM((16,), _F32),
            pltpu.VMEM((16,), _I32),
            pltpu.VMEM((256,), _F32),
            pltpu.VMEM((256,), _F32),
            pltpu.VMEM((256,), _F32),
            pltpu.VMEM((768,), _F32),
            pltpu.VMEM((48,), _F32),
            pltpu.VMEM((16,), _F32),
            pltpu.VMEM_SHARED((768,), _F32),
            pltpu.SemaphoreType.DMA,
            pltpu.SemaphoreType.DMA,
            pltpu.SemaphoreType.DMA,
        ],
    )(pred_id, target_id)
    return jnp.reshape(out, ())


def kernel(pred_id, target_id):
    return _idloss(pred_id, target_id)

# --- scband reference (transcript-rebuilt; emitter-appended) ---
"""Pipeline reference for scband-idloss-84670985274125 (READ-ONLY COPY).

The authoritative reference and input builder live on the scoring server;
editing this copy changes nothing except your own understanding.
"""

import jax, jax.numpy as jnp
import numpy as np


def setup_inputs(seed: int = 0):
    key = jax.random.key(seed)
    k1, k2 = jax.random.split(key)
    pred_id = jax.random.normal(k1, (100000,), dtype=jnp.float32)
    target_id = jax.random.randint(k2, (100000,), 0, 16, dtype=jnp.int32)
    return {"pred_id": pred_id, "target_id": target_id}


def _id_loss(pred_id, target_id):
    dtype = pred_id.dtype
    num_ids = 16
    protos = []
    stds = []
    valids = []
    for i in range(num_ids):
        maskf = (target_id == i).astype(dtype)
        cnt = jnp.sum(maskf)
        m = jnp.sum(pred_id * maskf) / cnt
        ssq = jnp.sum(maskf * (pred_id - m) ** 2)
        s = jnp.sqrt(ssq / (cnt - 1.0))
        protos.append(m)
        stds.append(s)
        valids.append(cnt > 0)
    protos.append(jnp.zeros((), dtype))
    stds.append(jnp.zeros((), dtype))
    valids.append(jnp.ones((), jnp.bool_))
    total = jnp.zeros((), dtype)
    count = jnp.zeros((), dtype)
    n = num_ids + 1
    for i in range(n):
        for j in range(i + 1, n):
            proto_i = protos[i]
            proto_j = protos[j]
            v_dist = proto_j - proto_i
            # torch.abs(torch.norm(scalar, p=2)) -> abs(abs(v_dist))
            v_dist_norm = jnp.abs(jnp.abs(v_dist))
            # .detach() -> stop_gradient
            v_dir = jax.lax.stop_gradient(v_dist / v_dist_norm)
            # torch std is unbiased (ddof=1); size-1 groups give nan -> replaced by 0
            std_i = stds[i]
            std_j = stds[j]
            v_intra_i = jnp.where(jnp.isnan(std_i), jnp.zeros((), dtype), jnp.abs(std_i * v_dir))
            v_intra_j = jnp.where(jnp.isnan(std_j), jnp.zeros((), dtype), jnp.abs(std_j * v_dir))
            v_iou = (v_intra_i + v_intra_j) / (v_dist_norm + v_intra_i + v_intra_j)
            valid = jnp.logical_and(valids[i], valids[j])
            total = total + jnp.where(valid, v_iou, jnp.zeros((), dtype))
            count = count + valid.astype(dtype)
    return total / count


def reference(pred_id, target_id):
    return _id_loss(pred_id, target_id)

if __name__ == "__main__":
    import jax
    _d = setup_inputs()
    print(jax.jit(kernel)(*tuple(_d.values())))

</pallas_src>

<mosaic_0001>
#map = affine_map<(d0, d1) -> (0)>
module attributes {stable_mosaic.version = 14 : i64} {
  func.func @_idloss_body(%arg0: i32, %arg1: i32, %arg2: memref<100000xf32, #tpu.memory_space<hbm>>, %arg3: memref<100000xi32, #tpu.memory_space<hbm>>, %arg4: memref<1xf32, #tpu.memory_space<hbm>>, %arg5: memref<6240xf32, #tpu.memory_space<vmem>>, %arg6: memref<6240xi32, #tpu.memory_space<vmem>>, %arg7: memref<16xf32, #tpu.memory_space<vmem>>, %arg8: memref<16xi32, #tpu.memory_space<vmem>>, %arg9: memref<256xf32, #tpu.memory_space<vmem>>, %arg10: memref<256xf32, #tpu.memory_space<vmem>>, %arg11: memref<256xf32, #tpu.memory_space<vmem>>, %arg12: memref<768xf32, #tpu.memory_space<vmem>>, %arg13: memref<48xf32, #tpu.memory_space<vmem>>, %arg14: memref<16xf32, #tpu.memory_space<vmem>>, %arg15: memref<768xf32, #tpu.memory_space<vmem_shared>>, %arg16: memref<!tpu.dma_semaphore, #tpu.memory_space<semaphore_mem>>, %arg17: memref<!tpu.dma_semaphore, #tpu.memory_space<semaphore_mem>>, %arg18: memref<!tpu.dma_semaphore, #tpu.memory_space<semaphore_mem>>) attributes {dimension_semantics = [#tpu.dimension_semantics<core_parallel>, #tpu.dimension_semantics<subcore_parallel>], iteration_bounds = array<i64: 1, 16>, scalar_prefetch = 0 : i64, scratch_operands = 14 : i64, tpu.core_type = #tpu.core_type<sc_vector_subcore>, window_params = [{transform_indices = #map}, {transform_indices = #map}, {transform_indices = #map}]} {
    %iota3A = tpu.iota {dimensions = array<i32: 0>} : vector<16xi32>
    %mul3A = arith.constant 16 : i32
    %mul3A_0 = vector.broadcast %mul3A : i32 to vector<16xi32>
    %mul3A_1 = arith.muli %iota3A, %mul3A_0 : vector<16xi32>
    %broadcast_in_dim3A = arith.constant 0.000000e+00 : f32
    %broadcast_in_dim3A_2 = vector.broadcast %broadcast_in_dim3A : f32 to vector<16xf32>
    %broadcast_in_dim3A_3 = arith.constant 1.000000e+00 : f32
    %broadcast_in_dim3A_4 = vector.broadcast %broadcast_in_dim3A_3 : f32 to vector<16xf32>
    %mul3A_5 = arith.constant 6240 : i32
    %mul3A_6 = arith.muli %arg1, %mul3A_5 : i32
    %mul3A_7 = arith.constant 16 : i32
    %mul3A_8 = arith.muli %arg1, %mul3A_7 : i32
    %add3A = arith.constant 99840 : i32
    %add3A_9 = arith.addi %add3A, %mul3A_8 : i32
    %dma_start3A = arith.constant 0 : i32
    %dma_start3A_10 = tpu.memref_slice %arg5[%dma_start3A] : memref<6240xf32, #tpu.memory_space<vmem>> -> memref<3120xf32, #tpu.memory_space<vmem>>
    %dma_start3A_11 = tpu.memref_slice %arg2[%mul3A_6] : memref<100000xf32, #tpu.memory_space<hbm>> -> memref<3120xf32, #tpu.memory_space<hbm>>
    %dma_start3A_12 = arith.constant 0 : i32
    %dma_start3A_13 = tpu.memref_slice %arg5[%dma_start3A_12] : memref<6240xf32, #tpu.memory_space<vmem>> -> memref<3120xf32, #tpu.memory_space<vmem>>
    %dma_start3A_14 = tpu.memref_slice %arg2[%mul3A_6] : memref<100000xf32, #tpu.memory_space<hbm>> -> memref<3120xf32, #tpu.memory_space<hbm>>
    tpu.enqueue_dma source(%dma_start3A_14 : memref<3120xf32, #tpu.memory_space<hbm>>) target(%dma_start3A_13 : memref<3120xf32, #tpu.memory_space<vmem>>) target_semaphore(%arg16 : memref<!tpu.dma_semaphore, #tpu.memory_space<semaphore_mem>>)
    %dma_start3A_15 = arith.constant 0 : i32
    %dma_start3A_16 = tpu.memref_slice %arg6[%dma_start3A_15] : memref<6240xi32, #tpu.memory_space<vmem>> -> memref<3120xi32, #tpu.memory_space<vmem>>
    %dma_start3A_17 = tpu.memref_slice %arg3[%mul3A_6] : memref<100000xi32, #tpu.memory_space<hbm>> -> memref<3120xi32, #tpu.memory_space<hbm>>
    %dma_start3A_18 = arith.constant 0 : i32
    %dma_start3A_19 = tpu.memref_slice %arg6[%dma_start3A_18] : memref<6240xi32, #tpu.memory_space<vmem>> -> memref<3120xi32, #tpu.memory_space<vmem>>
    %dma_start3A_20 = tpu.memref_slice %arg3[%mul3A_6] : memref<100000xi32, #tpu.memory_space<hbm>> -> memref<3120xi32, #tpu.memory_space<hbm>>
    tpu.enqueue_dma source(%dma_start3A_20 : memref<3120xi32, #tpu.memory_space<hbm>>) target(%dma_start3A_19 : memref<3120xi32, #tpu.memory_space<vmem>>) target_semaphore(%arg16 : memref<!tpu.dma_semaphore, #tpu.memory_space<semaphore_mem>>)
    %lt3A = arith.constant 10 : i32
    %lt3A_21 = arith.cmpi slt, %arg1, %lt3A : i32
    %convert_element_type3A = arith.extui %lt3A_21 : i1 to i32
    %cond3A = arith.constant 0 : i32
    %cond3A_22 = arith.cmpi ne, %convert_element_type3A, %cond3A : i32
    scf.if %cond3A_22 {
      %dma_start3A_322 = tpu.memref_slice %arg2[%add3A_9] : memref<100000xf32, #tpu.memory_space<hbm>> -> memref<16xf32, #tpu.memory_space<hbm>>
      %dma_start3A_323 = tpu.memref_slice %arg2[%add3A_9] : memref<100000xf32, #tpu.memory_space<hbm>> -> memref<16xf32, #tpu.memory_space<hbm>>
      tpu.enqueue_dma source(%dma_start3A_323 : memref<16xf32, #tpu.memory_space<hbm>>) target(%arg7 : memref<16xf32, #tpu.memory_space<vmem>>) target_semaphore(%arg18 : memref<!tpu.dma_semaphore, #tpu.memory_space<semaphore_mem>>)
      %dma_start3A_324 = tpu.memref_slice %arg3[%add3A_9] : memref<100000xi32, #tpu.memory_space<hbm>> -> memref<16xi32, #tpu.memory_space<hbm>>
      %dma_start3A_325 = tpu.memref_slice %arg3[%add3A_9] : memref<100000xi32, #tpu.memory_space<hbm>> -> memref<16xi32, #tpu.memory_space<hbm>>
      tpu.enqueue_dma source(%dma_start3A_325 : memref<16xi32, #tpu.memory_space<hbm>>) target(%arg8 : memref<16xi32, #tpu.memory_space<vmem>>) target_semaphore(%arg18 : memref<!tpu.dma_semaphore, #tpu.memory_space<semaphore_mem>>)
    } else {
    }
    %swap3A = arith.constant 0 : index
    %swap3A_23 = tpu.vector_load %arg9[%swap3A] {strides = array<i32>} : memref<256xf32, #tpu.memory_space<vmem>>, vector<16xf32>,
    tpu.vector_store %arg9[%swap3A], %broadcast_in_dim3A_2 {strides = array<i32>} : memref<256xf32, #tpu.memory_space<vmem>>, vector<16xf32>,
    %swap3A_24 = arith.constant 0 : index
    %swap3A_25 = tpu.vector_load %arg10[%swap3A_24] {strides = array<i32>} : memref<256xf32, #tpu.memory_space<vmem>>, vector<16xf32>,
    tpu.vector_store %arg10[%swap3A_24], %broadcast_in_dim3A_2 {strides = array<i32>} : memref<256xf32, #tpu.memory_space<vmem>>, vector<16xf32>,
    %swap3A_26 = arith.constant 0 : index
    %swap3A_27 = tpu.vector_load %arg11[%swap3A_26] {strides = array<i32>} : memref<256xf32, #tpu.memory_space<vmem>>, vector<16xf32>,
    tpu.vector_store %arg11[%swap3A_26], %broadcast_in_dim3A_2 {strides = array<i32>} : memref<256xf32, #tpu.memory_space<vmem>>, vector<16xf32>,
    %swap3A_28 = arith.constant 16 : index
    %swap3A_29 = tpu.vector_load %arg9[%swap3A_28] {strides = array<i32>} : memref<256xf32, #tpu.memory_space<vmem>>, vector<16xf32>,
    tpu.vector_store %arg9[%swap3A_28], %broadcast_in_dim3A_2 {strides = array<i32>} : memref<256xf32, #tpu.memory_space<vmem>>, vector<16xf32>,
    %swap3A_30 = arith.constant 16 : index
    %swap3A_31 = tpu.vector_load %arg10[%swap3A_30] {strides = array<i32>} : memref<256xf32, #tpu.memory_space<vmem>>, vector<16xf32>,
    tpu.vector_store %arg10[%swap3A_30], %broadcast_in_dim3A_2 {strides = array<i32>} : memref<256xf32, #tpu.memory_space<vmem>>, vector<16xf32>,
    %swap3A_32 = arith.constant 16 : index
    %swap3A_33 = tpu.vector_load %arg11[%swap3A_32] {strides = array<i32>} : memref<256xf32, #tpu.memory_space<vmem>>, vector<16xf32>,
    tpu.vector_store %arg11[%swap3A_32], %broadcast_in_dim3A_2 {strides = array<i32>} : memref<256xf32, #tpu.memory_space<vmem>>, vector<16xf32>,
    %swap3A_34 = arith.constant 32 : index
    %swap3A_35 = tpu.vector_load %arg9[%swap3A_34] {strides = array<i32>} : memref<256xf32, #tpu.memory_space<vmem>>, vector<16xf32>,
    tpu.vector_store %arg9[%swap3A_34], %broadcast_in_dim3A_2 {strides = array<i32>} : memref<256xf32, #tpu.memory_space<vmem>>, vector<16xf32>,
    %swap3A_36 = arith.constant 32 : index
    %swap3A_37 = tpu.vector_load %arg10[%swap3A_36] {strides = array<i32>} : memref<256xf32, #tpu.memory_space<vmem>>, vector<16xf32>,
    tpu.vector_store %arg10[%swap3A_36], %broadcast_in_dim3A_2 {strides = array<i32>} : memref<256xf32, #tpu.memory_space<vmem>>, vector<16xf32>,
    %swap3A_38 = arith.constant 32 : index
    %swap3A_39 = tpu.vector_load %arg11[%swap3A_38] {strides = array<i32>} : memref<256xf32, #tpu.memory_space<vmem>>, vector<16xf32>,
    tpu.vector_store %arg11[%swap3A_38], %broadcast_in_dim3A_2 {strides = array<i32>} : memref<256xf32, #tpu.memory_space<vmem>>, vector<16xf32>,
    %swap3A_40 = arith.constant 48 : index
    %swap3A_41 = tpu.vector_load %arg9[%swap3A_40] {strides = array<i32>} : memref<256xf32, #tpu.memory_space<vmem>>, vector<16xf32>,
    tpu.vector_store %arg9[%swap3A_40], %broadcast_in_dim3A_2 {strides = array<i32>} : memref<256xf32, #tpu.memory_space<vmem>>, vector<16xf32>,
    %swap3A_42 = arith.constant 48 : index
    %swap3A_43 = tpu.vector_load %arg10[%swap3A_42] {strides = array<i32>} : memref<256xf32, #tpu.memory_space<vmem>>, vector<16xf32>,
    tpu.vector_store %arg10[%swap3A_42], %broadcast_in_dim3A_2 {strides = array<i32>} : memref<256xf32, #tpu.memory_space<vmem>>, vector<16xf32>,
    %swap3A_44 = arith.constant 48 : index
    %swap3A_45 = tpu.vector_load %arg11[%swap3A_44] {strides = array<i32>} : memref<256xf32, #tpu.memory_space<vmem>>, vector<16xf32>,
    tpu.vector_store %arg11[%swap3A_44], %broadcast_in_dim3A_2 {strides = array<i32>} : memref<256xf32, #tpu.memory_space<vmem>>, vector<16xf32>,
    %swap3A_46 = arith.constant 64 : index
    %swap3A_47 = tpu.vector_load %arg9[%swap3A_46] {strides = array<i32>} : memref<256xf32, #tpu.memory_space<vmem>>, vector<16xf32>,
    tpu.vector_store %arg9[%swap3A_46], %broadcast_in_dim3A_2 {strides = array<i32>} : memref<256xf32, #tpu.memory_space<vmem>>, vector<16xf32>,
    %swap3A_48 = arith.constant 64 : index
    %swap3A_49 = tpu.vector_load %arg10[%swap3A_48] {strides = array<i32>} : memref<256xf32, #tpu.memory_space<vmem>>, vector<16xf32>,
    tpu.vector_store %arg10[%swap3A_48], %broadcast_in_dim3A_2 {strides = array<i32>} : memref<256xf32, #tpu.memory_space<vmem>>, vector<16xf32>,
    %swap3A_50 = arith.constant 64 : index
    %swap3A_51 = tpu.vector_load %arg11[%swap3A_50] {strides = array<i32>} : memref<256xf32, #tpu.memory_space<vmem>>, vector<16xf32>,
    tpu.vector_store %arg11[%swap3A_50], %broadcast_in_dim3A_2 {strides = array<i32>} : memref<256xf32, #tpu.memory_space<vmem>>, vector<16xf32>,
    %swap3A_52 = arith.constant 80 : index
    %swap3A_53 = tpu.vector_load %arg9[%swap3A_52] {strides = array<i32>} : memref<256xf32, #tpu.memory_space<vmem>>, vector<16xf32>,
    tpu.vector_store %arg9[%swap3A_52], %broadcast_in_dim3A_2 {strides = array<i32>} : memref<256xf32, #tpu.memory_space<vmem>>, vector<16xf32>,
    %swap3A_54 = arith.constant 80 : index
    %swap3A_55 = tpu.vector_load %arg10[%swap3A_54] {strides = array<i32>} : memref<256xf32, #tpu.memory_space<vmem>>, vector<16xf32>,
    tpu.vector_store %arg10[%swap3A_54], %broadcast_in_dim3A_2 {strides = array<i32>} : memref<256xf32, #tpu.memory_space<vmem>>, vector<16xf32>,
    %swap3A_56 = arith.constant 80 : index
    %swap3A_57 = tpu.vector_load %arg11[%swap3A_56] {strides = array<i32>} : memref<256xf32, #tpu.memory_space<vmem>>, vector<16xf32>,
    tpu.vector_store %arg11[%swap3A_56], %broadcast_in_dim3A_2 {strides = array<i32>} : memref<256xf32, #tpu.memory_space<vmem>>, vector<16xf32>,
    %swap3A_58 = arith.constant 96 : index
    %swap3A_59 = tpu.vector_load %arg9[%swap3A_58] {strides = array<i32>} : memref<256xf32, #tpu.memory_space<vmem>>, vector<16xf32>,
    tpu.vector_store %arg9[%swap3A_58], %broadcast_in_dim3A_2 {strides = array<i32>} : memref<256xf32, #tpu.memory_space<vmem>>, vector<16xf32>,
    %swap3A_60 = arith.constant 96 : index
    %swap3A_61 = tpu.vector_load %arg10[%swap3A_60] {strides = array<i32>} : memref<256xf32, #tpu.memory_space<vmem>>, vector<16xf32>,
    tpu.vector_store %arg10[%swap3A_60], %broadcast_in_dim3A_2 {strides = array<i32>} : memref<256xf32, #tpu.memory_space<vmem>>, vector<16xf32>,
    %swap3A_62 = arith.constant 96 : index
    %swap3A_63 = tpu.vector_load %arg11[%swap3A_62] {strides = array<i32>} : memref<256xf32, #tpu.memory_space<vmem>>, vector<16xf32>,
    tpu.vector_store %arg11[%swap3A_62], %broadcast_in_dim3A_2 {strides = array<i32>} : memref<256xf32, #tpu.memory_space<vmem>>, vector<16xf32>,
    %swap3A_64 = arith.constant 112 : index
    %swap3A_65 = tpu.vector_load %arg9[%swap3A_64] {strides = array<i32>} : memref<256xf32, #tpu.memory_space<vmem>>, vector<16xf32>,
    tpu.vector_store %arg9[%swap3A_64], %broadcast_in_dim3A_2 {strides = array<i32>} : memref<256xf32, #tpu.memory_space<vmem>>, vector<16xf32>,
    %swap3A_66 = arith.constant 112 : index
    %swap3A_67 = tpu.vector_load %arg10[%swap3A_66] {strides = array<i32>} : memref<256xf32, #tpu.memory_space<vmem>>, vector<16xf32>,
    tpu.vector_store %arg10[%swap3A_66], %broadcast_in_dim3A_2 {strides = array<i32>} : memref<256xf32, #tpu.memory_space<vmem>>, vector<16xf32>,
    %swap3A_68 = arith.constant 112 : index
    %swap3A_69 = tpu.vector_load %arg11[%swap3A_68] {strides = array<i32>} : memref<256xf32, #tpu.memory_space<vmem>>, vector<16xf32>,
    tpu.vector_store %arg11[%swap3A_68], %broadcast_in_dim3A_2 {strides = array<i32>} : memref<256xf32, #tpu.memory_space<vmem>>, vector<16xf32>,
    %swap3A_70 = arith.constant 128 : index
    %swap3A_71 = tpu.vector_load %arg9[%swap3A_70] {strides = array<i32>} : memref<256xf32, #tpu.memory_space<vmem>>, vector<16xf32>,
    tpu.vector_store %arg9[%swap3A_70], %broadcast_in_dim3A_2 {strides = array<i32>} : memref<256xf32, #tpu.memory_space<vmem>>, vector<16xf32>,
    %swap3A_72 = arith.constant 128 : index
    %swap3A_73 = tpu.vector_load %arg10[%swap3A_72] {strides = array<i32>} : memref<256xf32, #tpu.memory_space<vmem>>, vector<16xf32>,
    tpu.vector_store %arg10[%swap3A_72], %broadcast_in_dim3A_2 {strides = array<i32>} : memref<256xf32, #tpu.memory_space<vmem>>, vector<16xf32>,
    %swap3A_74 = arith.constant 128 : index
    %swap3A_75 = tpu.vector_load %arg11[%swap3A_74] {strides = array<i32>} : memref<256xf32, #tpu.memory_space<vmem>>, vector<16xf32>,
    tpu.vector_store %arg11[%swap3A_74], %broadcast_in_dim3A_2 {strides = array<i32>} : memref<256xf32, #tpu.memory_space<vmem>>, vector<16xf32>,
    %swap3A_76 = arith.constant 144 : index
    %swap3A_77 = tpu.vector_load %arg9[%swap3A_76] {strides = array<i32>} : memref<256xf32, #tpu.memory_space<vmem>>, vector<16xf32>,
    tpu.vector_store %arg9[%swap3A_76], %broadcast_in_dim3A_2 {strides = array<i32>} : memref<256xf32, #tpu.memory_space<vmem>>, vector<16xf32>,
    %swap3A_78 = arith.constant 144 : index
    %swap3A_79 = tpu.vector_load %arg10[%swap3A_78] {strides = array<i32>} : memref<256xf32, #tpu.memory_space<vmem>>, vector<16xf32>,
    tpu.vector_store %arg10[%swap3A_78], %broadcast_in_dim3A_2 {strides = array<i32>} : memref<256xf32, #tpu.memory_space<vmem>>, vector<16xf32>,
    %swap3A_80 = arith.constant 144 : index
    %swap3A_81 = tpu.vector_load %arg11[%swap3A_80] {strides = array<i32>} : memref<256xf32, #tpu.memory_space<vmem>>, vector<16xf32>,
    tpu.vector_store %arg11[%swap3A_80], %broadcast_in_dim3A_2 {strides = array<i32>} : memref<256xf32, #tpu.memory_space<vmem>>, vector<16xf32>,
    %swap3A_82 = arith.constant 160 : index
    %swap3A_83 = tpu.vector_load %arg9[%swap3A_82] {strides = array<i32>} : memref<256xf32, #tpu.memory_space<vmem>>, vector<16xf32>,
    tpu.vector_store %arg9[%swap3A_82], %broadcast_in_dim3A_2 {strides = array<i32>} : memref<256xf32, #tpu.memory_space<vmem>>, vector<16xf32>,
    %swap3A_84 = arith.constant 160 : index
    %swap3A_85 = tpu.vector_load %arg10[%swap3A_84] {strides = array<i32>} : memref<256xf32, #tpu.memory_space<vmem>>, vector<16xf32>,
    tpu.vector_store %arg10[%swap3A_84], %broadcast_in_dim3A_2 {strides = array<i32>} : memref<256xf32, #tpu.memory_space<vmem>>, vector<16xf32>,
    %swap3A_86 = arith.constant 160 : index
    %swap3A_87 = tpu.vector_load %arg11[%swap3A_86] {strides = array<i32>} : memref<256xf32, #tpu.memory_space<vmem>>, vector<16xf32>,
    tpu.vector_store %arg11[%swap3A_86], %broadcast_in_dim3A_2 {strides = array<i32>} : memref<256xf32, #tpu.memory_space<vmem>>, vector<16xf32>,
    %swap3A_88 = arith.constant 176 : index
    %swap3A_89 = tpu.vector_load %arg9[%swap3A_88] {strides = array<i32>} : memref<256xf32, #tpu.memory_space<vmem>>, vector<16xf32>,
    tpu.vector_store %arg9[%swap3A_88], %broadcast_in_dim3A_2 {strides = array<i32>} : memref<256xf32, #tpu.memory_space<vmem>>, vector<16xf32>,
    %swap3A_90 = arith.constant 176 : index
    %swap3A_91 = tpu.vector_load %arg10[%swap3A_90] {strides = array<i32>} : memref<256xf32, #tpu.memory_space<vmem>>, vector<16xf32>,
    tpu.vector_store %arg10[%swap3A_90], %broadcast_in_dim3A_2 {strides = array<i32>} : memref<256xf32, #tpu.memory_space<vmem>>, vector<16xf32>,
    %swap3A_92 = arith.constant 176 : index
    %swap3A_93 = tpu.vector_load %arg11[%swap3A_92] {strides = array<i32>} : memref<256xf32, #tpu.memory_space<vmem>>, vector<16xf32>,
    tpu.vector_store %arg11[%swap3A_92], %broadcast_in_dim3A_2 {strides = array<i32>} : memref<256xf32, #tpu.memory_space<vmem>>, vector<16xf32>,
    %swap3A_94 = arith.constant 192 : index
    %swap3A_95 = tpu.vector_load %arg9[%swap3A_94] {strides = array<i32>} : memref<256xf32, #tpu.memory_space<vmem>>, vector<16xf32>,
    tpu.vector_store %arg9[%swap3A_94], %broadcast_in_dim3A_2 {strides = array<i32>} : memref<256xf32, #tpu.memory_space<vmem>>, vector<16xf32>,
    %swap3A_96 = arith.constant 192 : index
    %swap3A_97 = tpu.vector_load %arg10[%swap3A_96] {strides = array<i32>} : memref<256xf32, #tpu.memory_space<vmem>>, vector<16xf32>,
    tpu.vector_store %arg10[%swap3A_96], %broadcast_in_dim3A_2 {strides = array<i32>} : memref<256xf32, #tpu.memory_space<vmem>>, vector<16xf32>,
    %swap3A_98 = arith.constant 192 : index
    %swap3A_99 = tpu.vector_load %arg11[%swap3A_98] {strides = array<i32>} : memref<256xf32, #tpu.memory_space<vmem>>, vector<16xf32>,
    tpu.vector_store %arg11[%swap3A_98], %broadcast_in_dim3A_2 {strides = array<i32>} : memref<256xf32, #tpu.memory_space<vmem>>, vector<16xf32>,
    %swap3A_100 = arith.constant 208 : index
    %swap3A_101 = tpu.vector_load %arg9[%swap3A_100] {strides = array<i32>} : memref<256xf32, #tpu.memory_space<vmem>>, vector<16xf32>,
    tpu.vector_store %arg9[%swap3A_100], %broadcast_in_dim3A_2 {strides = array<i32>} : memref<256xf32, #tpu.memory_space<vmem>>, vector<16xf32>,
    %swap3A_102 = arith.constant 208 : index
    %swap3A_103 = tpu.vector_load %arg10[%swap3A_102] {strides = array<i32>} : memref<256xf32, #tpu.memory_space<vmem>>, vector<16xf32>,
    tpu.vector_store %arg10[%swap3A_102], %broadcast_in_dim3A_2 {strides = array<i32>} : memref<256xf32, #tpu.memory_space<vmem>>, vector<16xf32>,
    %swap3A_104 = arith.constant 208 : index
    %swap3A_105 = tpu.vector_load %arg11[%swap3A_104] {strides = array<i32>} : memref<256xf32, #tpu.memory_space<vmem>>, vector<16xf32>,
    tpu.vector_store %arg11[%swap3A_104], %broadcast_in_dim3A_2 {strides = array<i32>} : memref<256xf32, #tpu.memory_space<vmem>>, vector<16xf32>,
    %swap3A_106 = arith.constant 224 : index
    %swap3A_107 = tpu.vector_load %arg9[%swap3A_106] {strides = array<i32>} : memref<256xf32, #tpu.memory_space<vmem>>, vector<16xf32>,
    tpu.vector_store %arg9[%swap3A_106], %broadcast_in_dim3A_2 {strides = array<i32>} : memref<256xf32, #tpu.memory_space<vmem>>, vector<16xf32>,
    %swap3A_108 = arith.constant 224 : index
    %swap3A_109 = tpu.vector_load %arg10[%swap3A_108] {strides = array<i32>} : memref<256xf32, #tpu.memory_space<vmem>>, vector<16xf32>,
    tpu.vector_store %arg10[%swap3A_108], %broadcast_in_dim3A_2 {strides = array<i32>} : memref<256xf32, #tpu.memory_space<vmem>>, vector<16xf32>,
    %swap3A_110 = arith.constant 224 : index
    %swap3A_111 = tpu.vector_load %arg11[%swap3A_110] {strides = array<i32>} : memref<256xf32, #tpu.memory_space<vmem>>, vector<16xf32>,
    tpu.vector_store %arg11[%swap3A_110], %broadcast_in_dim3A_2 {strides = array<i32>} : memref<256xf32, #tpu.memory_space<vmem>>, vector<16xf32>,
    %swap3A_112 = arith.constant 240 : index
    %swap3A_113 = tpu.vector_load %arg9[%swap3A_112] {strides = array<i32>} : memref<256xf32, #tpu.memory_space<vmem>>, vector<16xf32>,
    tpu.vector_store %arg9[%swap3A_112], %broadcast_in_dim3A_2 {strides = array<i32>} : memref<256xf32, #tpu.memory_space<vmem>>, vector<16xf32>,
    %swap3A_114 = arith.constant 240 : index
    %swap3A_115 = tpu.vector_load %arg10[%swap3A_114] {strides = array<i32>} : memref<256xf32, #tpu.memory_space<vmem>>, vector<16xf32>,
    tpu.vector_store %arg10[%swap3A_114], %broadcast_in_dim3A_2 {strides = array<i32>} : memref<256xf32, #tpu.memory_space<vmem>>, vector<16xf32>,
    %swap3A_116 = arith.constant 240 : index
    %swap3A_117 = tpu.vector_load %arg11[%swap3A_116] {strides = array<i32>} : memref<256xf32, #tpu.memory_space<vmem>>, vector<16xf32>,
    tpu.vector_store %arg11[%swap3A_116], %broadcast_in_dim3A_2 {strides = array<i32>} : memref<256xf32, #tpu.memory_space<vmem>>, vector<16xf32>,
    %dma_wait3A = arith.constant 0 : i32
    %dma_wait3A_118 = tpu.memref_slice %arg5[%dma_wait3A] : memref<6240xf32, #tpu.memory_space<vmem>> -> memref<3120xf32, #tpu.memory_space<vmem>>
    %dma_wait3A_119 = tpu.memref_slice %arg2[%mul3A_6] : memref<100000xf32, #tpu.memory_space<hbm>> -> memref<3120xf32, #tpu.memory_space<hbm>>
    %dma_wait3A_120 = arith.constant 0 : i32
    %dma_wait3A_121 = tpu.memref_slice %arg5[%dma_wait3A_120] : memref<6240xf32, #tpu.memory_space<vmem>> -> memref<3120xf32, #tpu.memory_space<vmem>>
    %dma_wait3A_122 = tpu.memref_slice %arg2[%mul3A_6] : memref<100000xf32, #tpu.memory_space<hbm>> -> memref<3120xf32, #tpu.memory_space<hbm>>
    tpu.wait_dma2 semaphore(%arg16 : memref<!tpu.dma_semaphore, #tpu.memory_space<semaphore_mem>>) src(%dma_wait3A_122 : memref<3120xf32, #tpu.memory_space<hbm>>) dst(%dma_wait3A_121 : memref<3120xf32, #tpu.memory_space<vmem>>)
    %dma_wait3A_123 = arith.constant 0 : i32
    %dma_wait3A_124 = tpu.memref_slice %arg6[%dma_wait3A_123] : memref<6240xi32, #tpu.memory_space<vmem>> -> memref<3120xi32, #tpu.memory_space<vmem>>
    %dma_wait3A_125 = tpu.memref_slice %arg3[%mul3A_6] : memref<100000xi32, #tpu.memory_space<hbm>> -> memref<3120xi32, #tpu.memory_space<hbm>>
    %dma_wait3A_126 = arith.constant 0 : i32
    %dma_wait3A_127 = tpu.memref_slice %arg6[%dma_wait3A_126] : memref<6240xi32, #tpu.memory_space<vmem>> -> memref<3120xi32, #tpu.memory_space<vmem>>
    %dma_wait3A_128 = tpu.memref_slice %arg3[%mul3A_6] : memref<100000xi32, #tpu.memory_space<hbm>> -> memref<3120xi32, #tpu.memory_space<hbm>>
    tpu.wait_dma2 semaphore(%arg16 : memref<!tpu.dma_semaphore, #tpu.memory_space<semaphore_mem>>) src(%dma_wait3A_128 : memref<3120xi32, #tpu.memory_space<hbm>>) dst(%dma_wait3A_127 : memref<3120xi32, #tpu.memory_space<vmem>>)
    %add3A_129 = arith.constant 3120 : i32
    %add3A_130 = arith.addi %mul3A_6, %add3A_129 : i32
    %dma_start3A_131 = arith.constant 3120 : i32
    %dma_start3A_132 = tpu.memref_slice %arg5[%dma_start3A_131] : memref<6240xf32, #tpu.memory_space<vmem>> -> memref<3120xf32, #tpu.memory_space<vmem>>
    %dma_start3A_133 = tpu.memref_slice %arg2[%add3A_130] : memref<100000xf32, #tpu.memory_space<hbm>> -> memref<3120xf32, #tpu.memory_space<hbm>>
    %dma_start3A_134 = arith.constant 3120 : i32
    %dma_start3A_135 = tpu.memref_slice %arg5[%dma_start3A_134] : memref<6240xf32, #tpu.memory_space<vmem>> -> memref<3120xf32, #tpu.memory_space<vmem>>
    %dma_start3A_136 = tpu.memref_slice %arg2[%add3A_130] : memref<100000xf32, #tpu.memory_space<hbm>> -> memref<3120xf32, #tpu.memory_space<hbm>>
    tpu.enqueue_dma source(%dma_start3A_136 : memref<3120xf32, #tpu.memory_space<hbm>>) target(%dma_start3A_135 : memref<3120xf32, #tpu.memory_space<vmem>>) target_semaphore(%arg17 : memref<!tpu.dma_semaphore, #tpu.memory_space<semaphore_mem>>)
    %add3A_137 = arith.constant 3120 : i32
    %add3A_138 = arith.addi %mul3A_6, %add3A_137 : i32
    %dma_start3A_139 = arith.constant 3120 : i32
    %dma_start3A_140 = tpu.memref_slice %arg6[%dma_start3A_139] : memref<6240xi32, #tpu.memory_space<vmem>> -> memref<3120xi32, #tpu.memory_space<vmem>>
    %dma_start3A_141 = tpu.memref_slice %arg3[%add3A_138] : memref<100000xi32, #tpu.memory_space<hbm>> -> memref<3120xi32, #tpu.memory_space<hbm>>
    %dma_start3A_142 = arith.constant 3120 : i32
    %dma_start3A_143 = tpu.memref_slice %arg6[%dma_start3A_142] : memref<6240xi32, #tpu.memory_space<vmem>> -> memref<3120xi32, #tpu.memory_space<vmem>>
    %dma_start3A_144 = tpu.memref_slice %arg3[%add3A_138] : memref<100000xi32, #tpu.memory_space<hbm>> -> memref<3120xi32, #tpu.memory_space<hbm>>
    tpu.enqueue_dma source(%dma_start3A_144 : memref<3120xi32, #tpu.memory_space<hbm>>) target(%dma_start3A_143 : memref<3120xi32, #tpu.memory_space<vmem>>) target_semaphore(%arg17 : memref<!tpu.dma_semaphore, #tpu.memory_space<semaphore_mem>>)
    %parallel_loop3A = arith.constant 0 : i32
    %parallel_loop3A_145 = arith.constant 195 : i32
    %parallel_loop3A_146 = arith.constant 1 : i32
    scf.for %parallel_loop3A_322 = %parallel_loop3A to %parallel_loop3A_145 step %parallel_loop3A_146  : i32 {
      %parallel_loop3A_323 = arith.constant 16 : i32
      %parallel_loop3A_324 = arith.muli %parallel_loop3A_322, %parallel_loop3A_323 : i32
      %parallel_loop3A_325 = arith.index_cast %parallel_loop3A_324 : i32 to index
      %parallel_loop3A_326 = tpu.vector_load %arg5[%parallel_loop3A_325] {strides = array<i32>} : memref<6240xf32, #tpu.memory_space<vmem>>, vector<16xf32>,
      %parallel_loop3A_327 = arith.index_cast %parallel_loop3A_324 : i32 to index
      %parallel_loop3A_328 = tpu.vector_load %arg6[%parallel_loop3A_327] {strides = array<i32>} : memref<6240xi32, #tpu.memory_space<vmem>>, vector<16xi32>,
      %parallel_loop3A_329 = arith.addi %mul3A_1, %parallel_loop3A_328 : vector<16xi32>
      tpu.vector_store_idx %arg9[%parallel_loop3A_329], %parallel_loop3A_326 {add = true} : memref<256xf32, #tpu.memory_space<vmem>>[vector<16xi32>], vector<16xf32>,
      %parallel_loop3A_330 = arith.mulf %parallel_loop3A_326, %parallel_loop3A_326 : vector<16xf32>
      tpu.vector_store_idx %arg10[%parallel_loop3A_329], %parallel_loop3A_330 {add = true} : memref<256xf32, #tpu.memory_space<vmem>>[vector<16xi32>], vector<16xf32>,
      tpu.vector_store_idx %arg11[%parallel_loop3A_329], %broadcast_in_dim3A_4 {add = true} : memref<256xf32, #tpu.memory_space<vmem>>[vector<16xi32>], vector<16xf32>,
    } {sc.loop_unroll_factor = 13 : i64, sc.parallel_access}
    %dma_wait3A_147 = arith.constant 3120 : i32
    %dma_wait3A_148 = tpu.memref_slice %arg5[%dma_wait3A_147] : memref<6240xf32, #tpu.memory_space<vmem>> -> memref<3120xf32, #tpu.memory_space<vmem>>
    %dma_wait3A_149 = tpu.memref_slice %arg2[%add3A_130] : memref<100000xf32, #tpu.memory_space<hbm>> -> memref<3120xf32, #tpu.memory_space<hbm>>
    %dma_wait3A_150 = arith.constant 3120 : i32
    %dma_wait3A_151 = tpu.memref_slice %arg5[%dma_wait3A_150] : memref<6240xf32, #tpu.memory_space<vmem>> -> memref<3120xf32, #tpu.memory_space<vmem>>
    %dma_wait3A_152 = tpu.memref_slice %arg2[%add3A_130] : memref<100000xf32, #tpu.memory_space<hbm>> -> memref<3120xf32, #tpu.memory_space<hbm>>
    tpu.wait_dma2 semaphore(%arg17 : memref<!tpu.dma_semaphore, #tpu.memory_space<semaphore_mem>>) src(%dma_wait3A_152 : memref<3120xf32, #tpu.memory_space<hbm>>) dst(%dma_wait3A_151 : memref<3120xf32, #tpu.memory_space<vmem>>)
    %dma_wait3A_153 = arith.constant 3120 : i32
    %dma_wait3A_154 = tpu.memref_slice %arg6[%dma_wait3A_153] : memref<6240xi32, #tpu.memory_space<vmem>> -> memref<3120xi32, #tpu.memory_space<vmem>>
    %dma_wait3A_155 = tpu.memref_slice %arg3[%add3A_138] : memref<100000xi32, #tpu.memory_space<hbm>> -> memref<3120xi32, #tpu.memory_space<hbm>>
    %dma_wait3A_156 = arith.constant 3120 : i32
    %dma_wait3A_157 = tpu.memref_slice %arg6[%dma_wait3A_156] : memref<6240xi32, #tpu.memory_space<vmem>> -> memref<3120xi32, #tpu.memory_space<vmem>>
    %dma_wait3A_158 = tpu.memref_slice %arg3[%add3A_138] : memref<100000xi32, #tpu.memory_space<hbm>> -> memref<3120xi32, #tpu.memory_space<hbm>>
    tpu.wait_dma2 semaphore(%arg17 : memref<!tpu.dma_semaphore, #tpu.memory_space<semaphore_mem>>) src(%dma_wait3A_158 : memref<3120xi32, #tpu.memory_space<hbm>>) dst(%dma_wait3A_157 : memref<3120xi32, #tpu.memory_space<vmem>>)
    %parallel_loop3A_159 = arith.constant 195 : i32
    %parallel_loop3A_160 = arith.constant 390 : i32
    %parallel_loop3A_161 = arith.constant 1 : i32
    scf.for %parallel_loop3A_322 = %parallel_loop3A_159 to %parallel_loop3A_160 step %parallel_loop3A_161  : i32 {
      %parallel_loop3A_323 = arith.constant 16 : i32
      %parallel_loop3A_324 = arith.muli %parallel_loop3A_322, %parallel_loop3A_323 : i32
      %parallel_loop3A_325 = arith.index_cast %parallel_loop3A_324 : i32 to index
      %parallel_loop3A_326 = tpu.vector_load %arg5[%parallel_loop3A_325] {strides = array<i32>} : memref<6240xf32, #tpu.memory_space<vmem>>, vector<16xf32>,
      %parallel_loop3A_327 = arith.index_cast %parallel_loop3A_324 : i32 to index
      %parallel_loop3A_328 = tpu.vector_load %arg6[%parallel_loop3A_327] {strides = array<i32>} : memref<6240xi32, #tpu.memory_space<vmem>>, vector<16xi32>,
      %parallel_loop3A_329 = arith.addi %mul3A_1, %parallel_loop3A_328 : vector<16xi32>
      tpu.vector_store_idx %arg9[%parallel_loop3A_329], %parallel_loop3A_326 {add = true} : memref<256xf32, #tpu.memory_space<vmem>>[vector<16xi32>], vector<16xf32>,
      %parallel_loop3A_330 = arith.mulf %parallel_loop3A_326, %parallel_loop3A_326 : vector<16xf32>
      tpu.vector_store_idx %arg10[%parallel_loop3A_329], %parallel_loop3A_330 {add = true} : memref<256xf32, #tpu.memory_space<vmem>>[vector<16xi32>], vector<16xf32>,
      tpu.vector_store_idx %arg11[%parallel_loop3A_329], %broadcast_in_dim3A_4 {add = true} : memref<256xf32, #tpu.memory_space<vmem>>[vector<16xi32>], vector<16xf32>,
    } {sc.loop_unroll_factor = 13 : i64, sc.parallel_access}
    %lt3A_162 = arith.constant 10 : i32
    %lt3A_163 = arith.cmpi slt, %arg1, %lt3A_162 : i32
    %convert_element_type3A_164 = arith.extui %lt3A_163 : i1 to i32
    %cond3A_165 = arith.constant 0 : i32
    %cond3A_166 = arith.cmpi ne, %convert_element_type3A_164, %cond3A_165 : i32
    scf.if %cond3A_166 {
      %dma_wait3A_322 = tpu.memref_slice %arg2[%add3A_9] : memref<100000xf32, #tpu.memory_space<hbm>> -> memref<16xf32, #tpu.memory_space<hbm>>
      %dma_wait3A_323 = tpu.memref_slice %arg2[%add3A_9] : memref<100000xf32, #tpu.memory_space<hbm>> -> memref<16xf32, #tpu.memory_space<hbm>>
      tpu.wait_dma2 semaphore(%arg18 : memref<!tpu.dma_semaphore, #tpu.memory_space<semaphore_mem>>) src(%dma_wait3A_323 : memref<16xf32, #tpu.memory_space<hbm>>) dst(%arg7 : memref<16xf32, #tpu.memory_space<vmem>>)
      %dma_wait3A_324 = tpu.memref_slice %arg3[%add3A_9] : memref<100000xi32, #tpu.memory_space<hbm>> -> memref<16xi32, #tpu.memory_space<hbm>>
      %dma_wait3A_325 = tpu.memref_slice %arg3[%add3A_9] : memref<100000xi32, #tpu.memory_space<hbm>> -> memref<16xi32, #tpu.memory_space<hbm>>
      tpu.wait_dma2 semaphore(%arg18 : memref<!tpu.dma_semaphore, #tpu.memory_space<semaphore_mem>>) src(%dma_wait3A_325 : memref<16xi32, #tpu.memory_space<hbm>>) dst(%arg8 : memref<16xi32, #tpu.memory_space<vmem>>)
      %get3A_326 = arith.constant 0 : index
      %get3A_327 = tpu.vector_load %arg7[%get3A_326] {strides = array<i32>} : memref<16xf32, #tpu.memory_space<vmem>>, vector<16xf32>,
      %get3A_328 = arith.constant 0 : index
      %get3A_329 = tpu.vector_load %arg8[%get3A_328] {strides = array<i32>} : memref<16xi32, #tpu.memory_space<vmem>>, vector<16xi32>,
      %add3A_330 = arith.addi %mul3A_1, %get3A_329 : vector<16xi32>
      tpu.vector_store_idx %arg9[%add3A_330], %get3A_327 {add = true} : memref<256xf32, #tpu.memory_space<vmem>>[vector<16xi32>], vector<16xf32>,
      %mul3A_331 = arith.mulf %get3A_327, %get3A_327 : vector<16xf32>
      tpu.vector_store_idx %arg10[%add3A_330], %mul3A_331 {add = true} : memref<256xf32, #tpu.memory_space<vmem>>[vector<16xi32>], vector<16xf32>,
      tpu.vector_store_idx %arg11[%add3A_330], %broadcast_in_dim3A_4 {add = true} : memref<256xf32, #tpu.memory_space<vmem>>[vector<16xi32>], vector<16xf32>,
    } else {
    }
    %get3A = arith.constant 0 : index
    %get3A_167 = tpu.vector_load %arg9[%get3A] {strides = array<i32>} : memref<256xf32, #tpu.memory_space<vmem>>, vector<16xf32>,
    %add3A_168 = arith.addf %broadcast_in_dim3A_2, %get3A_167 : vector<16xf32>
    %get3A_169 = arith.constant 0 : index
    %get3A_170 = tpu.vector_load %arg10[%get3A_169] {strides = array<i32>} : memref<256xf32, #tpu.memory_space<vmem>>, vector<16xf32>,
    %add3A_171 = arith.addf %broadcast_in_dim3A_2, %get3A_170 : vector<16xf32>
    %get3A_172 = arith.constant 0 : index
    %get3A_173 = tpu.vector_load %arg11[%get3A_172] {strides = array<i32>} : memref<256xf32, #tpu.memory_space<vmem>>, vector<16xf32>,
    %add3A_174 = arith.addf %broadcast_in_dim3A_2, %get3A_173 : vector<16xf32>
    %get3A_175 = arith.constant 16 : index
    %get3A_176 = tpu.vector_load %arg9[%get3A_175] {strides = array<i32>} : memref<256xf32, #tpu.memory_space<vmem>>, vector<16xf32>,
    %add3A_177 = arith.addf %add3A_168, %get3A_176 : vector<16xf32>
    %get3A_178 = arith.constant 16 : index
    %get3A_179 = tpu.vector_load %arg10[%get3A_178] {strides = array<i32>} : memref<256xf32, #tpu.memory_space<vmem>>, vector<16xf32>,
    %add3A_180 = arith.addf %add3A_171, %get3A_179 : vector<16xf32>
    %get3A_181 = arith.constant 16 : index
    %get3A_182 = tpu.vector_load %arg11[%get3A_181] {strides = array<i32>} : memref<256xf32, #tpu.memory_space<vmem>>, vector<16xf32>,
    %add3A_183 = arith.addf %add3A_174, %get3A_182 : vector<16xf32>
    %get3A_184 = arith.constant 32 : index
    %get3A_185 = tpu.vector_load %arg9[%get3A_184] {strides = array<i32>} : memref<256xf32, #tpu.memory_space<vmem>>, vector<16xf32>,
    %add3A_186 = arith.addf %add3A_177, %get3A_185 : vector<16xf32>
    %get3A_187 = arith.constant 32 : index
    %get3A_188 = tpu.vector_load %arg10[%get3A_187] {strides = array<i32>} : memref<256xf32, #tpu.memory_space<vmem>>, vector<16xf32>,
    %add3A_189 = arith.addf %add3A_180, %get3A_188 : vector<16xf32>
    %get3A_190 = arith.constant 32 : index
    %get3A_191 = tpu.vector_load %arg11[%get3A_190] {strides = array<i32>} : memref<256xf32, #tpu.memory_space<vmem>>, vector<16xf32>,
    %add3A_192 = arith.addf %add3A_183, %get3A_191 : vector<16xf32>
    %get3A_193 = arith.constant 48 : index
    %get3A_194 = tpu.vector_load %arg9[%get3A_193] {strides = array<i32>} : memref<256xf32, #tpu.memory_space<vmem>>, vector<16xf32>,
    %add3A_195 = arith.addf %add3A_186, %get3A_194 : vector<16xf32>
    %get3A_196 = arith.constant 48 : index
    %get3A_197 = tpu.vector_load %arg10[%get3A_196] {strides = array<i32>} : memref<256xf32, #tpu.memory_space<vmem>>, vector<16xf32>,
    %add3A_198 = arith.addf %add3A_189, %get3A_197 : vector<16xf32>
    %get3A_199 = arith.constant 48 : index
    %get3A_200 = tpu.vector_load %arg11[%get3A_199] {strides = array<i32>} : memref<256xf32, #tpu.memory_space<vmem>>, vector<16xf32>,
    %add3A_201 = arith.addf %add3A_192, %get3A_200 : vector<16xf32>
    %get3A_202 = arith.constant 64 : index
    %get3A_203 = tpu.vector_load %arg9[%get3A_202] {strides = array<i32>} : memref<256xf32, #tpu.memory_space<vmem>>, vector<16xf32>,
    %add3A_204 = arith.addf %add3A_195, %get3A_203 : vector<16xf32>
    %get3A_205 = arith.constant 64 : index
    %get3A_206 = tpu.vector_load %arg10[%get3A_205] {strides = array<i32>} : memref<256xf32, #tpu.memory_space<vmem>>, vector<16xf32>,
    %add3A_207 = arith.addf %add3A_198, %get3A_206 : vector<16xf32>
    %get3A_208 = arith.constant 64 : index
    %get3A_209 = tpu.vector_load %arg11[%get3A_208] {strides = array<i32>} : memref<256xf32, #tpu.memory_space<vmem>>, vector<16xf32>,
    %add3A_210 = arith.addf %add3A_201, %get3A_209 : vector<16xf32>
    %get3A_211 = arith.constant 80 : index
    %get3A_212 = tpu.vector_load %arg9[%get3A_211] {strides = array<i32>} : memref<256xf32, #tpu.memory_space<vmem>>, vector<16xf32>,
    %add3A_213 = arith.addf %add3A_204, %get3A_212 : vector<16xf32>
    %get3A_214 = arith.constant 80 : index
    %get3A_215 = tpu.vector_load %arg10[%get3A_214] {strides = array<i32>} : memref<256xf32, #tpu.memory_space<vmem>>, vector<16xf32>,
    %add3A_216 = arith.addf %add3A_207, %get3A_215 : vector<16xf32>
    %get3A_217 = arith.constant 80 : index
    %get3A_218 = tpu.vector_load %arg11[%get3A_217] {strides = array<i32>} : memref<256xf32, #tpu.memory_space<vmem>>, vector<16xf32>,
    %add3A_219 = arith.addf %add3A_210, %get3A_218 : vector<16xf32>
    %get3A_220 = arith.constant 96 : index
    %get3A_221 = tpu.vector_load %arg9[%get3A_220] {strides = array<i32>} : memref<256xf32, #tpu.memory_space<vmem>>, vector<16xf32>,
    %add3A_222 = arith.addf %add3A_213, %get3A_221 : vector<16xf32>
    %get3A_223 = arith.constant 96 : index
    %get3A_224 = tpu.vector_load %arg10[%get3A_223] {strides = array<i32>} : memref<256xf32, #tpu.memory_space<vmem>>, vector<16xf32>,
    %add3A_225 = arith.addf %add3A_216, %get3A_224 : vector<16xf32>
    %get3A_226 = arith.constant 96 : index
    %get3A_227 = tpu.vector_load %arg11[%get3A_226] {strides = array<i32>} : memref<256xf32, #tpu.memory_space<vmem>>, vector<16xf32>,
    %add3A_228 = arith.addf %add3A_219, %get3A_227 : vector<16xf32>
    %get3A_229 = arith.constant 112 : index
    %get3A_230 = tpu.vector_load %arg9[%get3A_229] {strides = array<i32>} : memref<256xf32, #tpu.memory_space<vmem>>, vector<16xf32>,
    %add3A_231 = arith.addf %add3A_222, %get3A_230 : vector<16xf32>
    %get3A_232 = arith.constant 112 : index
    %get3A_233 = tpu.vector_load %arg10[%get3A_232] {strides = array<i32>} : memref<256xf32, #tpu.memory_space<vmem>>, vector<16xf32>,
    %add3A_234 = arith.addf %add3A_225, %get3A_233 : vector<16xf32>
    %get3A_235 = arith.constant 112 : index
    %get3A_236 = tpu.vector_load %arg11[%get3A_235] {strides = array<i32>} : memref<256xf32, #tpu.memory_space<vmem>>, vector<16xf32>,
    %add3A_237 = arith.addf %add3A_228, %get3A_236 : vector<16xf32>
    %get3A_238 = arith.constant 128 : index
    %get3A_239 = tpu.vector_load %arg9[%get3A_238] {strides = array<i32>} : memref<256xf32, #tpu.memory_space<vmem>>, vector<16xf32>,
    %add3A_240 = arith.addf %add3A_231, %get3A_239 : vector<16xf32>
    %get3A_241 = arith.constant 128 : index
    %get3A_242 = tpu.vector_load %arg10[%get3A_241] {strides = array<i32>} : memref<256xf32, #tpu.memory_space<vmem>>, vector<16xf32>,
    %add3A_243 = arith.addf %add3A_234, %get3A_242 : vector<16xf32>
    %get3A_244 = arith.constant 128 : index
    %get3A_245 = tpu.vector_load %arg11[%get3A_244] {strides = array<i32>} : memref<256xf32, #tpu.memory_space<vmem>>, vector<16xf32>,
    %add3A_246 = arith.addf %add3A_237, %get3A_245 : vector<16xf32>
    %get3A_247 = arith.constant 144 : index
    %get3A_248 = tpu.vector_load %arg9[%get3A_247] {strides = array<i32>} : memref<256xf32, #tpu.memory_space<vmem>>, vector<16xf32>,
    %add3A_249 = arith.addf %add3A_240, %get3A_248 : vector<16xf32>
    %get3A_250 = arith.constant 144 : index
    %get3A_251 = tpu.vector_load %arg10[%get3A_250] {strides = array<i32>} : memref<256xf32, #tpu.memory_space<vmem>>, vector<16xf32>,
    %add3A_252 = arith.addf %add3A_243, %get3A_251 : vector<16xf32>
    %get3A_253 = arith.constant 144 : index
    %get3A_254 = tpu.vector_load %arg11[%get3A_253] {strides = array<i32>} : memref<256xf32, #tpu.memory_space<vmem>>, vector<16xf32>,
    %add3A_255 = arith.addf %add3A_246, %get3A_254 : vector<16xf32>
    %get3A_256 = arith.constant 160 : index
    %get3A_257 = tpu.vector_load %arg9[%get3A_256] {strides = array<i32>} : memref<256xf32, #tpu.memory_space<vmem>>, vector<16xf32>,
    %add3A_258 = arith.addf %add3A_249, %get3A_257 : vector<16xf32>
    %get3A_259 = arith.constant 160 : index
    %get3A_260 = tpu.vector_load %arg10[%get3A_259] {strides = array<i32>} : memref<256xf32, #tpu.memory_space<vmem>>, vector<16xf32>,
    %add3A_261 = arith.addf %add3A_252, %get3A_260 : vector<16xf32>
    %get3A_262 = arith.constant 160 : index
    %get3A_263 = tpu.vector_load %arg11[%get3A_262] {strides = array<i32>} : memref<256xf32, #tpu.memory_space<vmem>>, vector<16xf32>,
    %add3A_264 = arith.addf %add3A_255, %get3A_263 : vector<16xf32>
    %get3A_265 = arith.constant 176 : index
    %get3A_266 = tpu.vector_load %arg9[%get3A_265] {strides = array<i32>} : memref<256xf32, #tpu.memory_space<vmem>>, vector<16xf32>,
    %add3A_267 = arith.addf %add3A_258, %get3A_266 : vector<16xf32>
    %get3A_268 = arith.constant 176 : index
    %get3A_269 = tpu.vector_load %arg10[%get3A_268] {strides = array<i32>} : memref<256xf32, #tpu.memory_space<vmem>>, vector<16xf32>,
    %add3A_270 = arith.addf %add3A_261, %get3A_269 : vector<16xf32>
    %get3A_271 = arith.constant 176 : index
    %get3A_272 = tpu.vector_load %arg11[%get3A_271] {strides = array<i32>} : memref<256xf32, #tpu.memory_space<vmem>>, vector<16xf32>,
    %add3A_273 = arith.addf %add3A_264, %get3A_272 : vector<16xf32>
    %get3A_274 = arith.constant 192 : index
    %get3A_275 = tpu.vector_load %arg9[%get3A_274] {strides = array<i32>} : memref<256xf32, #tpu.memory_space<vmem>>, vector<16xf32>,
    %add3A_276 = arith.addf %add3A_267, %get3A_275 : vector<16xf32>
    %get3A_277 = arith.constant 192 : index
    %get3A_278 = tpu.vector_load %arg10[%get3A_277] {strides = array<i32>} : memref<256xf32, #tpu.memory_space<vmem>>, vector<16xf32>,
    %add3A_279 = arith.addf %add3A_270, %get3A_278 : vector<16xf32>
    %get3A_280 = arith.constant 192 : index
    %get3A_281 = tpu.vector_load %arg11[%get3A_280] {strides = array<i32>} : memref<256xf32, #tpu.memory_space<vmem>>, vector<16xf32>,
    %add3A_282 = arith.addf %add3A_273, %get3A_281 : vector<16xf32>
    %get3A_283 = arith.constant 208 : index
    %get3A_284 = tpu.vector_load %arg9[%get3A_283] {strides = array<i32>} : memref<256xf32, #tpu.memory_space<vmem>>, vector<16xf32>,
    %add3A_285 = arith.addf %add3A_276, %get3A_284 : vector<16xf32>
    %get3A_286 = arith.constant 208 : index
    %get3A_287 = tpu.vector_load %arg10[%get3A_286] {strides = array<i32>} : memref<256xf32, #tpu.memory_space<vmem>>, vector<16xf32>,
    %add3A_288 = arith.addf %add3A_279, %get3A_287 : vector<16xf32>
    %get3A_289 = arith.constant 208 : index
    %get3A_290 = tpu.vector_load %arg11[%get3A_289] {strides = array<i32>} : memref<256xf32, #tpu.memory_space<vmem>>, vector<16xf32>,
    %add3A_291 = arith.addf %add3A_282, %get3A_290 : vector<16xf32>
    %get3A_292 = arith.constant 224 : index
    %get3A_293 = tpu.vector_load %arg9[%get3A_292] {strides = array<i32>} : memref<256xf32, #tpu.memory_space<vmem>>, vector<16xf32>,
    %add3A_294 = arith.addf %add3A_285, %get3A_293 : vector<16xf32>
    %get3A_295 = arith.constant 224 : index
    %get3A_296 = tpu.vector_load %arg10[%get3A_295] {strides = array<i32>} : memref<256xf32, #tpu.memory_space<vmem>>, vector<16xf32>,
    %add3A_297 = arith.addf %add3A_288, %get3A_296 : vector<16xf32>
    %get3A_298 = arith.constant 224 : index
    %get3A_299 = tpu.vector_load %arg11[%get3A_298] {strides = array<i32>} : memref<256xf32, #tpu.memory_space<vmem>>, vector<16xf32>,
    %add3A_300 = arith.addf %add3A_291, %get3A_299 : vector<16xf32>
    %get3A_301 = arith.constant 240 : index
    %get3A_302 = tpu.vector_load %arg9[%get3A_301] {strides = array<i32>} : memref<256xf32, #tpu.memory_space<vmem>>, vector<16xf32>,
    %add3A_303 = arith.addf %add3A_294, %get3A_302 : vector<16xf32>
    %get3A_304 = arith.constant 240 : index
    %get3A_305 = tpu.vector_load %arg10[%get3A_304] {strides = array<i32>} : memref<256xf32, #tpu.memory_space<vmem>>, vector<16xf32>,
    %add3A_306 = arith.addf %add3A_297, %get3A_305 : vector<16xf32>
    %get3A_307 = arith.constant 240 : index
    %get3A_308 = tpu.vector_load %arg11[%get3A_307] {strides = array<i32>} : memref<256xf32, #tpu.memory_space<vmem>>, vector<16xf32>,
    %add3A_309 = arith.addf %add3A_300, %get3A_308 : vector<16xf32>
    %swap3A_310 = arith.constant 0 : index
    %swap3A_311 = tpu.vector_load %arg13[%swap3A_310] {strides = array<i32>} : memref<48xf32, #tpu.memory_space<vmem>>, vector<16xf32>,
    tpu.vector_store %arg13[%swap3A_310], %add3A_303 {strides = array<i32>} : memref<48xf32, #tpu.memory_space<vmem>>, vector<16xf32>,
    %swap3A_312 = arith.constant 16 : index
    %swap3A_313 = tpu.vector_load %arg13[%swap3A_312] {strides = array<i32>} : memref<48xf32, #tpu.memory_space<vmem>>, vector<16xf32>,
    tpu.vector_store %arg13[%swap3A_312], %add3A_306 {strides = array<i32>} : memref<48xf32, #tpu.memory_space<vmem>>, vector<16xf32>,
    %swap3A_314 = arith.constant 32 : index
    %swap3A_315 = tpu.vector_load %arg13[%swap3A_314] {strides = array<i32>} : memref<48xf32, #tpu.memory_space<vmem>>, vector<16xf32>,
    tpu.vector_store %arg13[%swap3A_314], %add3A_309 {strides = array<i32>} : memref<48xf32, #tpu.memory_space<vmem>>, vector<16xf32>,
    %mul3A_316 = arith.constant 48 : i32
    %mul3A_317 = arith.muli %arg1, %mul3A_316 : i32
    "tpu.region"() ({
      %run_scoped3A = tpu.sem_alloc : memref<!tpu.dma_semaphore, #tpu.memory_space<semaphore_mem>>
      %dma_start3A_322 = tpu.memref_slice %arg15[%mul3A_317] : memref<768xf32, #tpu.memory_space<vmem_shared>> -> memref<48xf32, #tpu.memory_space<vmem_shared>>
      %dma_start3A_323 = tpu.memref_slice %arg15[%mul3A_317] : memref<768xf32, #tpu.memory_space<vmem_shared>> -> memref<48xf32, #tpu.memory_space<vmem_shared>>
      tpu.enqueue_dma source(%arg13 : memref<48xf32, #tpu.memory_space<vmem>>) target(%dma_start3A_323 : memref<48xf32, #tpu.memory_space<vmem_shared>>) target_semaphore(%run_scoped3A : memref<!tpu.dma_semaphore, #tpu.memory_space<semaphore_mem>>)
      %dma_wait3A_324 = tpu.memref_slice %arg15[%mul3A_317] : memref<768xf32, #tpu.memory_space<vmem_shared>> -> memref<48xf32, #tpu.memory_space<vmem_shared>>
      %dma_wait3A_325 = tpu.memref_slice %arg15[%mul3A_317] : memref<768xf32, #tpu.memory_space<vmem_shared>> -> memref<48xf32, #tpu.memory_space<vmem_shared>>
      tpu.wait_dma2 semaphore(%run_scoped3A : memref<!tpu.dma_semaphore, #tpu.memory_space<semaphore_mem>>) src(%arg13 : memref<48xf32, #tpu.memory_space<vmem>>) dst(%dma_wait3A_325 : memref<48xf32, #tpu.memory_space<vmem_shared>>)
      tpu.yield
    }) : () -> ()
    %barrier3A = arith.constant 0 : index
    tpu.barrier barrier_id(%barrier3A)
    %eq3A = arith.constant 0 : i32
    %eq3A_318 = arith.cmpi eq, %arg1, %eq3A : i32
    %convert_element_type3A_319 = arith.extui %eq3A_318 : i1 to i32
    %cond3A_320 = arith.constant 0 : i32
    %cond3A_321 = arith.cmpi ne, %convert_element_type3A_319, %cond3A_320 : i32
    scf.if %cond3A_321 {
      "tpu.region"() ({
        %run_scoped3A = tpu.sem_alloc : memref<!tpu.dma_semaphore, #tpu.memory_space<semaphore_mem>>
        tpu.enqueue_dma source(%arg15 : memref<768xf32, #tpu.memory_space<vmem_shared>>) target(%arg12 : memref<768xf32, #tpu.memory_space<vmem>>) target_semaphore(%run_scoped3A : memref<!tpu.dma_semaphore, #tpu.memory_space<semaphore_mem>>)
        tpu.wait_dma2 semaphore(%run_scoped3A : memref<!tpu.dma_semaphore, #tpu.memory_space<semaphore_mem>>) src(%arg15 : memref<768xf32, #tpu.memory_space<vmem_shared>>) dst(%arg12 : memref<768xf32, #tpu.memory_space<vmem>>)
        tpu.yield
      }) : () -> ()
      %get3A_322 = arith.constant 0 : index
      %get3A_323 = tpu.vector_load %arg12[%get3A_322] {strides = array<i32>} : memref<768xf32, #tpu.memory_space<vmem>>, vector<16xf32>,
      %add3A_324 = arith.addf %broadcast_in_dim3A_2, %get3A_323 : vector<16xf32>
      %get3A_325 = arith.constant 16 : index
      %get3A_326 = tpu.vector_load %arg12[%get3A_325] {strides = array<i32>} : memref<768xf32, #tpu.memory_space<vmem>>, vector<16xf32>,
      %add3A_327 = arith.addf %broadcast_in_dim3A_2, %get3A_326 : vector<16xf32>
      %get3A_328 = arith.constant 32 : index
      %get3A_329 = tpu.vector_load %arg12[%get3A_328] {strides = array<i32>} : memref<768xf32, #tpu.memory_space<vmem>>, vector<16xf32>,
      %add3A_330 = arith.addf %broadcast_in_dim3A_2, %get3A_329 : vector<16xf32>
      %get3A_331 = arith.constant 48 : index
      %get3A_332 = tpu.vector_load %arg12[%get3A_331] {strides = array<i32>} : memref<768xf32, #tpu.memory_space<vmem>>, vector<16xf32>,
      %add3A_333 = arith.addf %add3A_324, %get3A_332 : vector<16xf32>
      %get3A_334 = arith.constant 64 : index
      %get3A_335 = tpu.vector_load %arg12[%get3A_334] {strides = array<i32>} : memref<768xf32, #tpu.memory_space<vmem>>, vector<16xf32>,
      %add3A_336 = arith.addf %add3A_327, %get3A_335 : vector<16xf32>
      %get3A_337 = arith.constant 80 : index
      %get3A_338 = tpu.vector_load %arg12[%get3A_337] {strides = array<i32>} : memref<768xf32, #tpu.memory_space<vmem>>, vector<16xf32>,
      %add3A_339 = arith.addf %add3A_330, %get3A_338 : vector<16xf32>
      %get3A_340 = arith.constant 96 : index
      %get3A_341 = tpu.vector_load %arg12[%get3A_340] {strides = array<i32>} : memref<768xf32, #tpu.memory_space<vmem>>, vector<16xf32>,
      %add3A_342 = arith.addf %add3A_333, %get3A_341 : vector<16xf32>
      %get3A_343 = arith.constant 112 : index
      %get3A_344 = tpu.vector_load %arg12[%get3A_343] {strides = array<i32>} : memref<768xf32, #tpu.memory_space<vmem>>, vector<16xf32>,
      %add3A_345 = arith.addf %add3A_336, %get3A_344 : vector<16xf32>
      %get3A_346 = arith.constant 128 : index
      %get3A_347 = tpu.vector_load %arg12[%get3A_346] {strides = array<i32>} : memref<768xf32, #tpu.memory_space<vmem>>, vector<16xf32>,
      %add3A_348 = arith.addf %add3A_339, %get3A_347 : vector<16xf32>
      %get3A_349 = arith.constant 144 : index
      %get3A_350 = tpu.vector_load %arg12[%get3A_349] {strides = array<i32>} : memref<768xf32, #tpu.memory_space<vmem>>, vector<16xf32>,
      %add3A_351 = arith.addf %add3A_342, %get3A_350 : vector<16xf32>
      %get3A_352 = arith.constant 160 : index
      %get3A_353 = tpu.vector_load %arg12[%get3A_352] {strides = array<i32>} : memref<768xf32, #tpu.memory_space<vmem>>, vector<16xf32>,
      %add3A_354 = arith.addf %add3A_345, %get3A_353 : vector<16xf32>
      %get3A_355 = arith.constant 176 : index
      %get3A_356 = tpu.vector_load %arg12[%get3A_355] {strides = array<i32>} : memref<768xf32, #tpu.memory_space<vmem>>, vector<16xf32>,
      %add3A_357 = arith.addf %add3A_348, %get3A_356 : vector<16xf32>
      %get3A_358 = arith.constant 192 : index
      %get3A_359 = tpu.vector_load %arg12[%get3A_358] {strides = array<i32>} : memref<768xf32, #tpu.memory_space<vmem>>, vector<16xf32>,
      %add3A_360 = arith.addf %add3A_351, %get3A_359 : vector<16xf32>
      %get3A_361 = arith.constant 208 : index
      %get3A_362 = tpu.vector_load %arg12[%get3A_361] {strides = array<i32>} : memref<768xf32, #tpu.memory_space<vmem>>, vector<16xf32>,
      %add3A_363 = arith.addf %add3A_354, %get3A_362 : vector<16xf32>
      %get3A_364 = arith.constant 224 : index
      %get3A_365 = tpu.vector_load %arg12[%get3A_364] {strides = array<i32>} : memref<768xf32, #tpu.memory_space<vmem>>, vector<16xf32>,
      %add3A_366 = arith.addf %add3A_357, %get3A_365 : vector<16xf32>
      %get3A_367 = arith.constant 240 : index
      %get3A_368 = tpu.vector_load %arg12[%get3A_367] {strides = array<i32>} : memref<768xf32, #tpu.memory_space<vmem>>, vector<16xf32>,
      %add3A_369 = arith.addf %add3A_360, %get3A_368 : vector<16xf32>
      %get3A_370 = arith.constant 256 : index
      %get3A_371 = tpu.vector_load %arg12[%get3A_370] {strides = array<i32>} : memref<768xf32, #tpu.memory_space<vmem>>, vector<16xf32>,
      %add3A_372 = arith.addf %add3A_363, %get3A_371 : vector<16xf32>
      %get3A_373 = arith.constant 272 : index
      %get3A_374 = tpu.vector_load %arg12[%get3A_373] {strides = array<i32>} : memref<768xf32, #tpu.memory_space<vmem>>, vector<16xf32>,
      %add3A_375 = arith.addf %add3A_366, %get3A_374 : vector<16xf32>
      %get3A_376 = arith.constant 288 : index
      %get3A_377 = tpu.vector_load %arg12[%get3A_376] {strides = array<i32>} : memref<768xf32, #tpu.memory_space<vmem>>, vector<16xf32>,
      %add3A_378 = arith.addf %add3A_369, %get3A_377 : vector<16xf32>
      %get3A_379 = arith.constant 304 : index
      %get3A_380 = tpu.vector_load %arg12[%get3A_379] {strides = array<i32>} : memref<768xf32, #tpu.memory_space<vmem>>, vector<16xf32>,
      %add3A_381 = arith.addf %add3A_372, %get3A_380 : vector<16xf32>
      %get3A_382 = arith.constant 320 : index
      %get3A_383 = tpu.vector_load %arg12[%get3A_382] {strides = array<i32>} : memref<768xf32, #tpu.memory_space<vmem>>, vector<16xf32>,
      %add3A_384 = arith.addf %add3A_375, %get3A_383 : vector<16xf32>
      %get3A_385 = arith.constant 336 : index
      %get3A_386 = tpu.vector_load %arg12[%get3A_385] {strides = array<i32>} : memref<768xf32, #tpu.memory_space<vmem>>, vector<16xf32>,
      %add3A_387 = arith.addf %add3A_378, %get3A_386 : vector<16xf32>
      %get3A_388 = arith.constant 352 : index
      %get3A_389 = tpu.vector_load %arg12[%get3A_388] {strides = array<i32>} : memref<768xf32, #tpu.memory_space<vmem>>, vector<16xf32>,
      %add3A_390 = arith.addf %add3A_381, %get3A_389 : vector<16xf32>
      %get3A_391 = arith.constant 368 : index
      %get3A_392 = tpu.vector_load %arg12[%get3A_391] {strides = array<i32>} : memref<768xf32, #tpu.memory_space<vmem>>, vector<16xf32>,
      %add3A_393 = arith.addf %add3A_384, %get3A_392 : vector<16xf32>
      %get3A_394 = arith.constant 384 : index
      %get3A_395 = tpu.vector_load %arg12[%get3A_394] {strides = array<i32>} : memref<768xf32, #tpu.memory_space<vmem>>, vector<16xf32>,
      %add3A_396 = arith.addf %add3A_387, %get3A_395 : vector<16xf32>
      %get3A_397 = arith.constant 400 : index
      %get3A_398 = tpu.vector_load %arg12[%get3A_397] {strides = array<i32>} : memref<768xf32, #tpu.memory_space<vmem>>, vector<16xf32>,
      %add3A_399 = arith.addf %add3A_390, %get3A_398 : vector<16xf32>
      %get3A_400 = arith.constant 416 : index
      %get3A_401 = tpu.vector_load %arg12[%get3A_400] {strides = array<i32>} : memref<768xf32, #tpu.memory_space<vmem>>, vector<16xf32>,
      %add3A_402 = arith.addf %add3A_393, %get3A_401 : vector<16xf32>
      %get3A_403 = arith.constant 432 : index
      %get3A_404 = tpu.vector_load %arg12[%get3A_403] {strides = array<i32>} : memref<768xf32, #tpu.memory_space<vmem>>, vector<16xf32>,
      %add3A_405 = arith.addf %add3A_396, %get3A_404 : vector<16xf32>
      %get3A_406 = arith.constant 448 : index
      %get3A_407 = tpu.vector_load %arg12[%get3A_406] {strides = array<i32>} : memref<768xf32, #tpu.memory_space<vmem>>, vector<16xf32>,
      %add3A_408 = arith.addf %add3A_399, %get3A_407 : vector<16xf32>
      %get3A_409 = arith.constant 464 : index
      %get3A_410 = tpu.vector_load %arg12[%get3A_409] {strides = array<i32>} : memref<768xf32, #tpu.memory_space<vmem>>, vector<16xf32>,
      %add3A_411 = arith.addf %add3A_402, %get3A_410 : vector<16xf32>
      %get3A_412 = arith.constant 480 : index
      %get3A_413 = tpu.vector_load %arg12[%get3A_412] {strides = array<i32>} : memref<768xf32, #tpu.memory_space<vmem>>, vector<16xf32>,
      %add3A_414 = arith.addf %add3A_405, %get3A_413 : vector<16xf32>
      %get3A_415 = arith.constant 496 : index
      %get3A_416 = tpu.vector_load %arg12[%get3A_415] {strides = array<i32>} : memref<768xf32, #tpu.memory_space<vmem>>, vector<16xf32>,
      %add3A_417 = arith.addf %add3A_408, %get3A_416 : vector<16xf32>
      %get3A_418 = arith.constant 512 : index
      %get3A_419 = tpu.vector_load %arg12[%get3A_418] {strides = array<i32>} : memref<768xf32, #tpu.memory_space<vmem>>, vector<16xf32>,
      %add3A_420 = arith.addf %add3A_411, %get3A_419 : vector<16xf32>
      %get3A_421 = arith.constant 528 : index
      %get3A_422 = tpu.vector_load %arg12[%get3A_421] {strides = array<i32>} : memref<768xf32, #tpu.memory_space<vmem>>, vector<16xf32>,
      %add3A_423 = arith.addf %add3A_414, %get3A_422 : vector<16xf32>
      %get3A_424 = arith.constant 544 : index
      %get3A_425 = tpu.vector_load %arg12[%get3A_424] {strides = array<i32>} : memref<768xf32, #tpu.memory_space<vmem>>, vector<16xf32>,
      %add3A_426 = arith.addf %add3A_417, %get3A_425 : vector<16xf32>
      %get3A_427 = arith.constant 560 : index
      %get3A_428 = tpu.vector_load %arg12[%get3A_427] {strides = array<i32>} : memref<768xf32, #tpu.memory_space<vmem>>, vector<16xf32>,
      %add3A_429 = arith.addf %add3A_420, %get3A_428 : vector<16xf32>
      %get3A_430 = arith.constant 576 : index
      %get3A_431 = tpu.vector_load %arg12[%get3A_430] {strides = array<i32>} : memref<768xf32, #tpu.memory_space<vmem>>, vector<16xf32>,
      %add3A_432 = arith.addf %add3A_423, %get3A_431 : vector<16xf32>
      %get3A_433 = arith.constant 592 : index
      %get3A_434 = tpu.vector_load %arg12[%get3A_433] {strides = array<i32>} : memref<768xf32, #tpu.memory_space<vmem>>, vector<16xf32>,
      %add3A_435 = arith.addf %add3A_426, %get3A_434 : vector<16xf32>
      %get3A_436 = arith.constant 608 : index
      %get3A_437 = tpu.vector_load %arg12[%get3A_436] {strides = array<i32>} : memref<768xf32, #tpu.memory_space<vmem>>, vector<16xf32>,
      %add3A_438 = arith.addf %add3A_429, %get3A_437 : vector<16xf32>
      %get3A_439 = arith.constant 624 : index
      %get3A_440 = tpu.vector_load %arg12[%get3A_439] {strides = array<i32>} : memref<768xf32, #tpu.memory_space<vmem>>, vector<16xf32>,
      %add3A_441 = arith.addf %add3A_432, %get3A_440 : vector<16xf32>
      %get3A_442 = arith.constant 640 : index
      %get3A_443 = tpu.vector_load %arg12[%get3A_442] {strides = array<i32>} : memref<768xf32, #tpu.memory_space<vmem>>, vector<16xf32>,
      %add3A_444 = arith.addf %add3A_435, %get3A_443 : vector<16xf32>
      %get3A_445 = arith.constant 656 : index
      %get3A_446 = tpu.vector_load %arg12[%get3A_445] {strides = array<i32>} : memref<768xf32, #tpu.memory_space<vmem>>, vector<16xf32>,
      %add3A_447 = arith.addf %add3A_438, %get3A_446 : vector<16xf32>
      %get3A_448 = arith.constant 672 : index
      %get3A_449 = tpu.vector_load %arg12[%get3A_448] {strides = array<i32>} : memref<768xf32, #tpu.memory_space<vmem>>, vector<16xf32>,
      %add3A_450 = arith.addf %add3A_441, %get3A_449 : vector<16xf32>
      %get3A_451 = arith.constant 688 : index
      %get3A_452 = tpu.vector_load %arg12[%get3A_451] {strides = array<i32>} : memref<768xf32, #tpu.memory_space<vmem>>, vector<16xf32>,
      %add3A_453 = arith.addf %add3A_444, %get3A_452 : vector<16xf32>
      %get3A_454 = arith.constant 704 : index
      %get3A_455 = tpu.vector_load %arg12[%get3A_454] {strides = array<i32>} : memref<768xf32, #tpu.memory_space<vmem>>, vector<16xf32>,
      %add3A_456 = arith.addf %add3A_447, %get3A_455 : vector<16xf32>
      %get3A_457 = arith.constant 720 : index
      %get3A_458 = tpu.vector_load %arg12[%get3A_457] {strides = array<i32>} : memref<768xf32, #tpu.memory_space<vmem>>, vector<16xf32>,
      %add3A_459 = arith.addf %add3A_450, %get3A_458 : vector<16xf32>
      %get3A_460 = arith.constant 736 : index
      %get3A_461 = tpu.vector_load %arg12[%get3A_460] {strides = array<i32>} : memref<768xf32, #tpu.memory_space<vmem>>, vector<16xf32>,
      %add3A_462 = arith.addf %add3A_453, %get3A_461 : vector<16xf32>
      %get3A_463 = arith.constant 752 : index
      %get3A_464 = tpu.vector_load %arg12[%get3A_463] {strides = array<i32>} : memref<768xf32, #tpu.memory_space<vmem>>, vector<16xf32>,
      %add3A_465 = arith.addf %add3A_456, %get3A_464 : vector<16xf32>
      %div3A = arith.divf %add3A_459, %add3A_465 : vector<16xf32>
      %mul3A_466 = arith.mulf %add3A_465, %div3A : vector<16xf32>
      %mul3A_467 = arith.mulf %mul3A_466, %div3A : vector<16xf32>
      %sub3A = arith.subf %add3A_462, %mul3A_467 : vector<16xf32>
      %lt3A_468 = arith.constant 0.000000e+00 : f32
      %lt3A_469 = vector.broadcast %lt3A_468 : f32 to vector<16xf32>
      %lt3A_470 = arith.cmpf olt, %sub3A, %lt3A_469 : vector<16xf32>
      %select_n3A = arith.select %lt3A_470, %broadcast_in_dim3A_2, %sub3A : vector<16xi1>, vector<16xf32>
      %sub3A_471 = arith.constant 1.000000e+00 : f32
      %sub3A_472 = vector.broadcast %sub3A_471 : f32 to vector<16xf32>
      %sub3A_473 = arith.subf %add3A_465, %sub3A_472 : vector<16xf32>
      %div3A_474 = arith.divf %select_n3A, %sub3A_473 : vector<16xf32>
      %bitcast3A = vector.bitcast %div3A_474 : vector<16xf32> to vector<16xi32>
      %shift_right_logical3A = arith.constant 1 : i32
      %shift_right_logical3A_475 = vector.broadcast %shift_right_logical3A : i32 to vector<16xi32>
      %shift_right_logical3A_476 = arith.shrui %bitcast3A, %shift_right_logical3A_475 : vector<16xi32>
      %sub3A_477 = arith.constant 1597463007 : i32
      %sub3A_478 = vector.broadcast %sub3A_477 : i32 to vector<16xi32>
      %sub3A_479 = arith.subi %sub3A_478, %shift_right_logical3A_476 : vector<16xi32>
      %bitcast3A_480 = vector.bitcast %sub3A_479 : vector<16xi32> to vector<16xf32>
      %mul3A_481 = arith.constant 5.000000e-01 : f32
      %mul3A_482 = vector.broadcast %mul3A_481 : f32 to vector<16xf32>
      %mul3A_483 = arith.mulf %div3A_474, %mul3A_482 : vector<16xf32>
      %mul3A_484 = arith.mulf %mul3A_483, %bitcast3A_480 : vector<16xf32>
      %mul3A_485 = arith.mulf %mul3A_484, %bitcast3A_480 : vector<16xf32>
      %sub3A_486 = arith.constant 1.500000e+00 : f32
      %sub3A_487 = vector.broadcast %sub3A_486 : f32 to vector<16xf32>
      %sub3A_488 = arith.subf %sub3A_487, %mul3A_485 : vector<16xf32>
      %mul3A_489 = arith.mulf %bitcast3A_480, %sub3A_488 : vector<16xf32>
      %mul3A_490 = arith.mulf %mul3A_483, %mul3A_489 : vector<16xf32>
      %mul3A_491 = arith.mulf %mul3A_490, %mul3A_489 : vector<16xf32>
      %sub3A_492 = arith.constant 1.500000e+00 : f32
      %sub3A_493 = vector.broadcast %sub3A_492 : f32 to vector<16xf32>
      %sub3A_494 = arith.subf %sub3A_493, %mul3A_491 : vector<16xf32>
      %mul3A_495 = arith.mulf %mul3A_489, %sub3A_494 : vector<16xf32>
      %mul3A_496 = arith.mulf %mul3A_483, %mul3A_495 : vector<16xf32>
      %mul3A_497 = arith.mulf %mul3A_496, %mul3A_495 : vector<16xf32>
      %sub3A_498 = arith.constant 1.500000e+00 : f32
      %sub3A_499 = vector.broadcast %sub3A_498 : f32 to vector<16xf32>
      %sub3A_500 = arith.subf %sub3A_499, %mul3A_497 : vector<16xf32>
      %mul3A_501 = arith.mulf %mul3A_495, %sub3A_500 : vector<16xf32>
      %mul3A_502 = arith.mulf %div3A_474, %mul3A_501 : vector<16xf32>
      %ne3A = arith.cmpf one, %mul3A_502, %mul3A_502 : vector<16xf32>
      %gt3A = arith.constant 0.000000e+00 : f32
      %gt3A_503 = vector.broadcast %gt3A : f32 to vector<16xf32>
      %gt3A_504 = arith.cmpf ogt, %add3A_465, %gt3A_503 : vector<16xf32>
      %scan3A = arith.constant 0 : i32
      %scan3A_505 = arith.constant 4 : i32
      %scan3A_506 = arith.addi %scan3A, %scan3A_505 : i32
      %scan3A_507 = arith.constant 1 : i32
      %scan3A_508:2 = scf.for %scan3A_541 = %scan3A to %scan3A_506 step %scan3A_507 iter_args(%scan3A_542 = %broadcast_in_dim3A_2, %scan3A_543 = %broadcast_in_dim3A_2) -> (vector<16xf32>, vector<16xf32>)  : i32 {
        %mul3A_544 = arith.constant 4 : i32
        %mul3A_545 = arith.muli %scan3A_541, %mul3A_544 : i32
        %add3A_546 = arith.constant 0 : i32
        %add3A_547 = arith.addi %mul3A_545, %add3A_546 : i32
        %broadcast_in_dim3A_548 = vector.broadcast %add3A_547 : i32 to vector<16xi32>
        %lt3A_549 = arith.constant 0 : i32
        %lt3A_550 = vector.broadcast %lt3A_549 : i32 to vector<16xi32>
        %lt3A_551 = arith.cmpi slt, %broadcast_in_dim3A_548, %lt3A_550 : vector<16xi32>
        %add3A_552 = arith.constant 16 : i32
        %add3A_553 = vector.broadcast %add3A_552 : i32 to vector<16xi32>
        %add3A_554 = arith.addi %broadcast_in_dim3A_548, %add3A_553 : vector<16xi32>
        %select_n3A_555 = arith.select %lt3A_551, %add3A_554, %broadcast_in_dim3A_548 : vector<16xi1>, vector<16xi32>
        %broadcast_in_dim3A_556 = vector.shape_cast %select_n3A_555 : vector<16xi32> to vector<16x1xi32>
        %gather3A = vector.shape_cast %broadcast_in_dim3A_556 : vector<16x1xi32> to vector<16xi32>
        %gather3A_557 = tpu.dynamic_gather %div3A[%gather3A] in [0] : vector<16xf32>, vector<16xi32> -> vector<16xf32>
        %lt3A_558 = arith.constant 0 : i32
        %lt3A_559 = vector.broadcast %lt3A_558 : i32 to vector<16xi32>
        %lt3A_560 = arith.cmpi slt, %broadcast_in_dim3A_548, %lt3A_559 : vector<16xi32>
        %add3A_561 = arith.constant 16 : i32
        %add3A_562 = vector.broadcast %add3A_561 : i32 to vector<16xi32>
        %add3A_563 = arith.addi %broadcast_in_dim3A_548, %add3A_562 : vector<16xi32>
        %select_n3A_564 = arith.select %lt3A_560, %add3A_563, %broadcast_in_dim3A_548 : vector<16xi1>, vector<16xi32>
        %broadcast_in_dim3A_565 = vector.shape_cast %select_n3A_564 : vector<16xi32> to vector<16x1xi32>
        %gather3A_566 = vector.shape_cast %broadcast_in_dim3A_565 : vector<16x1xi32> to vector<16xi32>
        %gather3A_567 = tpu.dynamic_gather %mul3A_502[%gather3A_566] in [0] : vector<16xf32>, vector<16xi32> -> vector<16xf32>
        %lt3A_568 = arith.constant 0 : i32
        %lt3A_569 = vector.broadcast %lt3A_568 : i32 to vector<16xi32>
        %lt3A_570 = arith.cmpi slt, %broadcast_in_dim3A_548, %lt3A_569 : vector<16xi32>
        %add3A_571 = arith.constant 16 : i32
        %add3A_572 = vector.broadcast %add3A_571 : i32 to vector<16xi32>
        %add3A_573 = arith.addi %broadcast_in_dim3A_548, %add3A_572 : vector<16xi32>
        %select_n3A_574 = arith.select %lt3A_570, %add3A_573, %broadcast_in_dim3A_548 : vector<16xi1>, vector<16xi32>
        %broadcast_in_dim3A_575 = vector.shape_cast %select_n3A_574 : vector<16xi32> to vector<16x1xi32>
        %gather3A_576 = vector.shape_cast %broadcast_in_dim3A_575 : vector<16x1xi32> to vector<16xi32>
        %gather3A_577 = tpu.dynamic_gather %add3A_465[%gather3A_576] in [0] : vector<16xf32>, vector<16xi32> -> vector<16xf32>
        %sub3A_578 = arith.subf %div3A, %gather3A_557 : vector<16xf32>
        %abs3A_579 = math.absf %sub3A_578 : vector<16xf32>
        %div3A_580 = arith.divf %sub3A_578, %abs3A_579 : vector<16xf32>
        %ne3A_581 = arith.cmpf one, %gather3A_567, %gather3A_567 : vector<16xf32>
        %mul3A_582 = arith.mulf %gather3A_567, %div3A_580 : vector<16xf32>
        %abs3A_583 = math.absf %mul3A_582 : vector<16xf32>
        %select_n3A_584 = arith.select %ne3A_581, %broadcast_in_dim3A_2, %abs3A_583 : vector<16xi1>, vector<16xf32>
        %mul3A_585 = arith.mulf %mul3A_502, %div3A_580 : vector<16xf32>
        %abs3A_586 = math.absf %mul3A_585 : vector<16xf32>
        %select_n3A_587 = arith.select %ne3A, %broadcast_in_dim3A_2, %abs3A_586 : vector<16xi1>, vector<16xf32>
        %add3A_588 = arith.addf %select_n3A_584, %select_n3A_587 : vector<16xf32>
        %add3A_589 = arith.addf %abs3A_579, %select_n3A_584 : vector<16xf32>
        %add3A_590 = arith.addf %add3A_589, %select_n3A_587 : vector<16xf32>
        %div3A_591 = arith.divf %add3A_588, %add3A_590 : vector<16xf32>
        %gt3A_592 = arith.constant 0.000000e+00 : f32
        %gt3A_593 = vector.broadcast %gt3A_592 : f32 to vector<16xf32>
        %gt3A_594 = arith.cmpf ogt, %gather3A_577, %gt3A_593 : vector<16xf32>
        %and3A = arith.andi %gt3A_594, %gt3A_504 : vector<16xi1>
        %gt3A_595 = vector.broadcast %add3A_547 : i32 to vector<16xi32>
        %gt3A_596 = arith.cmpi sgt, %iota3A, %gt3A_595 : vector<16xi32>
        %and3A_597 = arith.andi %and3A, %gt3A_596 : vector<16xi1>
        %select_n3A_598 = arith.select %and3A_597, %div3A_591, %broadcast_in_dim3A_2 : vector<16xi1>, vector<16xf32>
        %add3A_599 = arith.addf %scan3A_542, %select_n3A_598 : vector<16xf32>
        %select_n3A_600 = arith.select %and3A_597, %broadcast_in_dim3A_4, %broadcast_in_dim3A_2 : vector<16xi1>, vector<16xf32>
        %add3A_601 = arith.addf %scan3A_543, %select_n3A_600 : vector<16xf32>
        %mul3A_602 = arith.constant 4 : i32
        %mul3A_603 = arith.muli %scan3A_541, %mul3A_602 : i32
        %add3A_604 = arith.constant 1 : i32
        %add3A_605 = arith.addi %mul3A_603, %add3A_604 : i32
        %broadcast_in_dim3A_606 = vector.broadcast %add3A_605 : i32 to vector<16xi32>
        %lt3A_607 = arith.constant 0 : i32
        %lt3A_608 = vector.broadcast %lt3A_607 : i32 to vector<16xi32>
        %lt3A_609 = arith.cmpi slt, %broadcast_in_dim3A_606, %lt3A_608 : vector<16xi32>
        %add3A_610 = arith.constant 16 : i32
        %add3A_611 = vector.broadcast %add3A_610 : i32 to vector<16xi32>
        %add3A_612 = arith.addi %broadcast_in_dim3A_606, %add3A_611 : vector<16xi32>
        %select_n3A_613 = arith.select %lt3A_609, %add3A_612, %broadcast_in_dim3A_606 : vector<16xi1>, vector<16xi32>
        %broadcast_in_dim3A_614 = vector.shape_cast %select_n3A_613 : vector<16xi32> to vector<16x1xi32>
        %gather3A_615 = vector.shape_cast %broadcast_in_dim3A_614 : vector<16x1xi32> to vector<16xi32>
        %gather3A_616 = tpu.dynamic_gather %div3A[%gather3A_615] in [0] : vector<16xf32>, vector<16xi32> -> vector<16xf32>
        %lt3A_617 = arith.constant 0 : i32
        %lt3A_618 = vector.broadcast %lt3A_617 : i32 to vector<16xi32>
        %lt3A_619 = arith.cmpi slt, %broadcast_in_dim3A_606, %lt3A_618 : vector<16xi32>
        %add3A_620 = arith.constant 16 : i32
        %add3A_621 = vector.broadcast %add3A_620 : i32 to vector<16xi32>
        %add3A_622 = arith.addi %broadcast_in_dim3A_606, %add3A_621 : vector<16xi32>
        %select_n3A_623 = arith.select %lt3A_619, %add3A_622, %broadcast_in_dim3A_606 : vector<16xi1>, vector<16xi32>
        %broadcast_in_dim3A_624 = vector.shape_cast %select_n3A_623 : vector<16xi32> to vector<16x1xi32>
        %gather3A_625 = vector.shape_cast %broadcast_in_dim3A_624 : vector<16x1xi32> to vector<16xi32>
        %gather3A_626 = tpu.dynamic_gather %mul3A_502[%gather3A_625] in [0] : vector<16xf32>, vector<16xi32> -> vector<16xf32>
        %lt3A_627 = arith.constant 0 : i32
        %lt3A_628 = vector.broadcast %lt3A_627 : i32 to vector<16xi32>
        %lt3A_629 = arith.cmpi slt, %broadcast_in_dim3A_606, %lt3A_628 : vector<16xi32>
        %add3A_630 = arith.constant 16 : i32
        %add3A_631 = vector.broadcast %add3A_630 : i32 to vector<16xi32>
        %add3A_632 = arith.addi %broadcast_in_dim3A_606, %add3A_631 : vector<16xi32>
        %select_n3A_633 = arith.select %lt3A_629, %add3A_632, %broadcast_in_dim3A_606 : vector<16xi1>, vector<16xi32>
        %broadcast_in_dim3A_634 = vector.shape_cast %select_n3A_633 : vector<16xi32> to vector<16x1xi32>
        %gather3A_635 = vector.shape_cast %broadcast_in_dim3A_634 : vector<16x1xi32> to vector<16xi32>
        %gather3A_636 = tpu.dynamic_gather %add3A_465[%gather3A_635] in [0] : vector<16xf32>, vector<16xi32> -> vector<16xf32>
        %sub3A_637 = arith.subf %div3A, %gather3A_616 : vector<16xf32>
        %abs3A_638 = math.absf %sub3A_637 : vector<16xf32>
        %div3A_639 = arith.divf %sub3A_637, %abs3A_638 : vector<16xf32>
        %ne3A_640 = arith.cmpf one, %gather3A_626, %gather3A_626 : vector<16xf32>
        %mul3A_641 = arith.mulf %gather3A_626, %div3A_639 : vector<16xf32>
        %abs3A_642 = math.absf %mul3A_641 : vector<16xf32>
        %select_n3A_643 = arith.select %ne3A_640, %broadcast_in_dim3A_2, %abs3A_642 : vector<16xi1>, vector<16xf32>
        %mul3A_644 = arith.mulf %mul3A_502, %div3A_639 : vector<16xf32>
        %abs3A_645 = math.absf %mul3A_644 : vector<16xf32>
        %select_n3A_646 = arith.select %ne3A, %broadcast_in_dim3A_2, %abs3A_645 : vector<16xi1>, vector<16xf32>
        %add3A_647 = arith.addf %select_n3A_643, %select_n3A_646 : vector<16xf32>
        %add3A_648 = arith.addf %abs3A_638, %select_n3A_643 : vector<16xf32>
        %add3A_649 = arith.addf %add3A_648, %select_n3A_646 : vector<16xf32>
        %div3A_650 = arith.divf %add3A_647, %add3A_649 : vector<16xf32>
        %gt3A_651 = arith.constant 0.000000e+00 : f32
        %gt3A_652 = vector.broadcast %gt3A_651 : f32 to vector<16xf32>
        %gt3A_653 = arith.cmpf ogt, %gather3A_636, %gt3A_652 : vector<16xf32>
        %and3A_654 = arith.andi %gt3A_653, %gt3A_504 : vector<16xi1>
        %gt3A_655 = vector.broadcast %add3A_605 : i32 to vector<16xi32>
        %gt3A_656 = arith.cmpi sgt, %iota3A, %gt3A_655 : vector<16xi32>
        %and3A_657 = arith.andi %and3A_654, %gt3A_656 : vector<16xi1>
        %select_n3A_658 = arith.select %and3A_657, %div3A_650, %broadcast_in_dim3A_2 : vector<16xi1>, vector<16xf32>
        %add3A_659 = arith.addf %add3A_599, %select_n3A_658 : vector<16xf32>
        %select_n3A_660 = arith.select %and3A_657, %broadcast_in_dim3A_4, %broadcast_in_dim3A_2 : vector<16xi1>, vector<16xf32>
        %add3A_661 = arith.addf %add3A_601, %select_n3A_660 : vector<16xf32>
        %mul3A_662 = arith.constant 4 : i32
        %mul3A_663 = arith.muli %scan3A_541, %mul3A_662 : i32
        %add3A_664 = arith.constant 2 : i32
        %add3A_665 = arith.addi %mul3A_663, %add3A_664 : i32
        %broadcast_in_dim3A_666 = vector.broadcast %add3A_665 : i32 to vector<16xi32>
        %lt3A_667 = arith.constant 0 : i32
        %lt3A_668 = vector.broadcast %lt3A_667 : i32 to vector<16xi32>
        %lt3A_669 = arith.cmpi slt, %broadcast_in_dim3A_666, %lt3A_668 : vector<16xi32>
        %add3A_670 = arith.constant 16 : i32
        %add3A_671 = vector.broadcast %add3A_670 : i32 to vector<16xi32>
        %add3A_672 = arith.addi %broadcast_in_dim3A_666, %add3A_671 : vector<16xi32>
        %select_n3A_673 = arith.select %lt3A_669, %add3A_672, %broadcast_in_dim3A_666 : vector<16xi1>, vector<16xi32>
        %broadcast_in_dim3A_674 = vector.shape_cast %select_n3A_673 : vector<16xi32> to vector<16x1xi32>
        %gather3A_675 = vector.shape_cast %broadcast_in_dim3A_674 : vector<16x1xi32> to vector<16xi32>
        %gather3A_676 = tpu.dynamic_gather %div3A[%gather3A_675] in [0] : vector<16xf32>, vector<16xi32> -> vector<16xf32>
        %lt3A_677 = arith.constant 0 : i32
        %lt3A_678 = vector.broadcast %lt3A_677 : i32 to vector<16xi32>
        %lt3A_679 = arith.cmpi slt, %broadcast_in_dim3A_666, %lt3A_678 : vector<16xi32>
        %add3A_680 = arith.constant 16 : i32
        %add3A_681 = vector.broadcast %add3A_680 : i32 to vector<16xi32>
        %add3A_682 = arith.addi %broadcast_in_dim3A_666, %add3A_681 : vector<16xi32>
        %select_n3A_683 = arith.select %lt3A_679, %add3A_682, %broadcast_in_dim3A_666 : vector<16xi1>, vector<16xi32>
        %broadcast_in_dim3A_684 = vector.shape_cast %select_n3A_683 : vector<16xi32> to vector<16x1xi32>
        %gather3A_685 = vector.shape_cast %broadcast_in_dim3A_684 : vector<16x1xi32> to vector<16xi32>
        %gather3A_686 = tpu.dynamic_gather %mul3A_502[%gather3A_685] in [0] : vector<16xf32>, vector<16xi32> -> vector<16xf32>
        %lt3A_687 = arith.constant 0 : i32
        %lt3A_688 = vector.broadcast %lt3A_687 : i32 to vector<16xi32>
        %lt3A_689 = arith.cmpi slt, %broadcast_in_dim3A_666, %lt3A_688 : vector<16xi32>
        %add3A_690 = arith.constant 16 : i32
        %add3A_691 = vector.broadcast %add3A_690 : i32 to vector<16xi32>
        %add3A_692 = arith.addi %broadcast_in_dim3A_666, %add3A_691 : vector<16xi32>
        %select_n3A_693 = arith.select %lt3A_689, %add3A_692, %broadcast_in_dim3A_666 : vector<16xi1>, vector<16xi32>
        %broadcast_in_dim3A_694 = vector.shape_cast %select_n3A_693 : vector<16xi32> to vector<16x1xi32>
        %gather3A_695 = vector.shape_cast %broadcast_in_dim3A_694 : vector<16x1xi32> to vector<16xi32>
        %gather3A_696 = tpu.dynamic_gather %add3A_465[%gather3A_695] in [0] : vector<16xf32>, vector<16xi32> -> vector<16xf32>
        %sub3A_697 = arith.subf %div3A, %gather3A_676 : vector<16xf32>
        %abs3A_698 = math.absf %sub3A_697 : vector<16xf32>
        %div3A_699 = arith.divf %sub3A_697, %abs3A_698 : vector<16xf32>
        %ne3A_700 = arith.cmpf one, %gather3A_686, %gather3A_686 : vector<16xf32>
        %mul3A_701 = arith.mulf %gather3A_686, %div3A_699 : vector<16xf32>
        %abs3A_702 = math.absf %mul3A_701 : vector<16xf32>
        %select_n3A_703 = arith.select %ne3A_700, %broadcast_in_dim3A_2, %abs3A_702 : vector<16xi1>, vector<16xf32>
        %mul3A_704 = arith.mulf %mul3A_502, %div3A_699 : vector<16xf32>
        %abs3A_705 = math.absf %mul3A_704 : vector<16xf32>
        %select_n3A_706 = arith.select %ne3A, %broadcast_in_dim3A_2, %abs3A_705 : vector<16xi1>, vector<16xf32>
        %add3A_707 = arith.addf %select_n3A_703, %select_n3A_706 : vector<16xf32>
        %add3A_708 = arith.addf %abs3A_698, %select_n3A_703 : vector<16xf32>
        %add3A_709 = arith.addf %add3A_708, %select_n3A_706 : vector<16xf32>
        %div3A_710 = arith.divf %add3A_707, %add3A_709 : vector<16xf32>
        %gt3A_711 = arith.constant 0.000000e+00 : f32
        %gt3A_712 = vector.broadcast %gt3A_711 : f32 to vector<16xf32>
        %gt3A_713 = arith.cmpf ogt, %gather3A_696, %gt3A_712 : vector<16xf32>
        %and3A_714 = arith.andi %gt3A_713, %gt3A_504 : vector<16xi1>
        %gt3A_715 = vector.broadcast %add3A_665 : i32 to vector<16xi32>
        %gt3A_716 = arith.cmpi sgt, %iota3A, %gt3A_715 : vector<16xi32>
        %and3A_717 = arith.andi %and3A_714, %gt3A_716 : vector<16xi1>
        %select_n3A_718 = arith.select %and3A_717, %div3A_710, %broadcast_in_dim3A_2 : vector<16xi1>, vector<16xf32>
        %add3A_719 = arith.addf %add3A_659, %select_n3A_718 : vector<16xf32>
        %select_n3A_720 = arith.select %and3A_717, %broadcast_in_dim3A_4, %broadcast_in_dim3A_2 : vector<16xi1>, vector<16xf32>
        %add3A_721 = arith.addf %add3A_661, %select_n3A_720 : vector<16xf32>
        %mul3A_722 = arith.constant 4 : i32
        %mul3A_723 = arith.muli %scan3A_541, %mul3A_722 : i32
        %add3A_724 = arith.constant 3 : i32
        %add3A_725 = arith.addi %mul3A_723, %add3A_724 : i32
        %broadcast_in_dim3A_726 = vector.broadcast %add3A_725 : i32 to vector<16xi32>
        %lt3A_727 = arith.constant 0 : i32
        %lt3A_728 = vector.broadcast %lt3A_727 : i32 to vector<16xi32>
        %lt3A_729 = arith.cmpi slt, %broadcast_in_dim3A_726, %lt3A_728 : vector<16xi32>
        %add3A_730 = arith.constant 16 : i32
        %add3A_731 = vector.broadcast %add3A_730 : i32 to vector<16xi32>
        %add3A_732 = arith.addi %broadcast_in_dim3A_726, %add3A_731 : vector<16xi32>
        %select_n3A_733 = arith.select %lt3A_729, %add3A_732, %broadcast_in_dim3A_726 : vector<16xi1>, vector<16xi32>
        %broadcast_in_dim3A_734 = vector.shape_cast %select_n3A_733 : vector<16xi32> to vector<16x1xi32>
        %gather3A_735 = vector.shape_cast %broadcast_in_dim3A_734 : vector<16x1xi32> to vector<16xi32>
        %gather3A_736 = tpu.dynamic_gather %div3A[%gather3A_735] in [0] : vector<16xf32>, vector<16xi32> -> vector<16xf32>
        %lt3A_737 = arith.constant 0 : i32
        %lt3A_738 = vector.broadcast %lt3A_737 : i32 to vector<16xi32>
        %lt3A_739 = arith.cmpi slt, %broadcast_in_dim3A_726, %lt3A_738 : vector<16xi32>
        %add3A_740 = arith.constant 16 : i32
        %add3A_741 = vector.broadcast %add3A_740 : i32 to vector<16xi32>
        %add3A_742 = arith.addi %broadcast_in_dim3A_726, %add3A_741 : vector<16xi32>
        %select_n3A_743 = arith.select %lt3A_739, %add3A_742, %broadcast_in_dim3A_726 : vector<16xi1>, vector<16xi32>
        %broadcast_in_dim3A_744 = vector.shape_cast %select_n3A_743 : vector<16xi32> to vector<16x1xi32>
        %gather3A_745 = vector.shape_cast %broadcast_in_dim3A_744 : vector<16x1xi32> to vector<16xi32>
        %gather3A_746 = tpu.dynamic_gather %mul3A_502[%gather3A_745] in [0] : vector<16xf32>, vector<16xi32> -> vector<16xf32>
        %lt3A_747 = arith.constant 0 : i32
        %lt3A_748 = vector.broadcast %lt3A_747 : i32 to vector<16xi32>
        %lt3A_749 = arith.cmpi slt, %broadcast_in_dim3A_726, %lt3A_748 : vector<16xi32>
        %add3A_750 = arith.constant 16 : i32
        %add3A_751 = vector.broadcast %add3A_750 : i32 to vector<16xi32>
        %add3A_752 = arith.addi %broadcast_in_dim3A_726, %add3A_751 : vector<16xi32>
        %select_n3A_753 = arith.select %lt3A_749, %add3A_752, %broadcast_in_dim3A_726 : vector<16xi1>, vector<16xi32>
        %broadcast_in_dim3A_754 = vector.shape_cast %select_n3A_753 : vector<16xi32> to vector<16x1xi32>
        %gather3A_755 = vector.shape_cast %broadcast_in_dim3A_754 : vector<16x1xi32> to vector<16xi32>
        %gather3A_756 = tpu.dynamic_gather %add3A_465[%gather3A_755] in [0] : vector<16xf32>, vector<16xi32> -> vector<16xf32>
        %sub3A_757 = arith.subf %div3A, %gather3A_736 : vector<16xf32>
        %abs3A_758 = math.absf %sub3A_757 : vector<16xf32>
        %div3A_759 = arith.divf %sub3A_757, %abs3A_758 : vector<16xf32>
        %ne3A_760 = arith.cmpf one, %gather3A_746, %gather3A_746 : vector<16xf32>
        %mul3A_761 = arith.mulf %gather3A_746, %div3A_759 : vector<16xf32>
        %abs3A_762 = math.absf %mul3A_761 : vector<16xf32>
        %select_n3A_763 = arith.select %ne3A_760, %broadcast_in_dim3A_2, %abs3A_762 : vector<16xi1>, vector<16xf32>
        %mul3A_764 = arith.mulf %mul3A_502, %div3A_759 : vector<16xf32>
        %abs3A_765 = math.absf %mul3A_764 : vector<16xf32>
        %select_n3A_766 = arith.select %ne3A, %broadcast_in_dim3A_2, %abs3A_765 : vector<16xi1>, vector<16xf32>
        %add3A_767 = arith.addf %select_n3A_763, %select_n3A_766 : vector<16xf32>
        %add3A_768 = arith.addf %abs3A_758, %select_n3A_763 : vector<16xf32>
        %add3A_769 = arith.addf %add3A_768, %select_n3A_766 : vector<16xf32>
        %div3A_770 = arith.divf %add3A_767, %add3A_769 : vector<16xf32>
        %gt3A_771 = arith.constant 0.000000e+00 : f32
        %gt3A_772 = vector.broadcast %gt3A_771 : f32 to vector<16xf32>
        %gt3A_773 = arith.cmpf ogt, %gather3A_756, %gt3A_772 : vector<16xf32>
        %and3A_774 = arith.andi %gt3A_773, %gt3A_504 : vector<16xi1>
        %gt3A_775 = vector.broadcast %add3A_725 : i32 to vector<16xi32>
        %gt3A_776 = arith.cmpi sgt, %iota3A, %gt3A_775 : vector<16xi32>
        %and3A_777 = arith.andi %and3A_774, %gt3A_776 : vector<16xi1>
        %select_n3A_778 = arith.select %and3A_777, %div3A_770, %broadcast_in_dim3A_2 : vector<16xi1>, vector<16xf32>
        %add3A_779 = arith.addf %add3A_719, %select_n3A_778 : vector<16xf32>
        %select_n3A_780 = arith.select %and3A_777, %broadcast_in_dim3A_4, %broadcast_in_dim3A_2 : vector<16xi1>, vector<16xf32>
        %add3A_781 = arith.addf %add3A_721, %select_n3A_780 : vector<16xf32>
        scf.yield %add3A_779, %add3A_781 : vector<16xf32>, vector<16xf32>
      }
      %scan3A_509 = arith.constant 4 : i32
      %sub3A_510 = arith.constant 0.000000e+00 : f32
      %sub3A_511 = vector.broadcast %sub3A_510 : f32 to vector<16xf32>
      %sub3A_512 = arith.subf %sub3A_511, %div3A : vector<16xf32>
      %abs3A = math.absf %sub3A_512 : vector<16xf32>
      %div3A_513 = arith.divf %sub3A_512, %abs3A : vector<16xf32>
      %mul3A_514 = arith.mulf %mul3A_502, %div3A_513 : vector<16xf32>
      %abs3A_515 = math.absf %mul3A_514 : vector<16xf32>
      %select_n3A_516 = arith.select %ne3A, %broadcast_in_dim3A_2, %abs3A_515 : vector<16xi1>, vector<16xf32>
      %mul3A_517 = arith.constant 0.000000e+00 : f32
      %mul3A_518 = vector.broadcast %mul3A_517 : f32 to vector<16xf32>
      %mul3A_519 = arith.mulf %mul3A_518, %div3A_513 : vector<16xf32>
      %abs3A_520 = math.absf %mul3A_519 : vector<16xf32>
      %add3A_521 = arith.addf %select_n3A_516, %abs3A_520 : vector<16xf32>
      %add3A_522 = arith.addf %abs3A, %select_n3A_516 : vector<16xf32>
      %add3A_523 = arith.addf %add3A_522, %abs3A_520 : vector<16xf32>
      %div3A_524 = arith.divf %add3A_521, %add3A_523 : vector<16xf32>
      %select_n3A_525 = arith.select %gt3A_504, %div3A_524, %broadcast_in_dim3A_2 : vector<16xi1>, vector<16xf32>
      %add3A_526 = arith.addf %scan3A_508#0, %select_n3A_525 : vector<16xf32>
      %select_n3A_527 = arith.select %gt3A_504, %broadcast_in_dim3A_4, %broadcast_in_dim3A_2 : vector<16xi1>, vector<16xf32>
      %add3A_528 = arith.addf %scan3A_508#1, %select_n3A_527 : vector<16xf32>
      %reduce_sum3A = arith.constant true
      %reduce_sum3A_529 = vector.broadcast %reduce_sum3A : i1 to vector<16xi1>
      %reduce_sum3A_530 = tpu.scan <sum>, %add3A_526 masked %reduce_sum3A_529 : vector<16xf32>, vector<16xi1> -> vector<16xf32>
      %reduce_sum3A_531 = vector.extract %reduce_sum3A_530[15] : f32 from vector<16xf32>
      %broadcast_in_dim3A_532 = vector.broadcast %reduce_sum3A_531 : f32 to vector<16xf32>
      %reduce_sum3A_533 = arith.constant true
      %reduce_sum3A_534 = vector.broadcast %reduce_sum3A_533 : i1 to vector<16xi1>
      %reduce_sum3A_535 = tpu.scan <sum>, %add3A_528 masked %reduce_sum3A_534 : vector<16xf32>, vector<16xi1> -> vector<16xf32>
      %reduce_sum3A_536 = vector.extract %reduce_sum3A_535[15] : f32 from vector<16xf32>
      %broadcast_in_dim3A_537 = vector.broadcast %reduce_sum3A_536 : f32 to vector<16xf32>
      %div3A_538 = arith.divf %broadcast_in_dim3A_532, %broadcast_in_dim3A_537 : vector<16xf32>
      %swap3A_539 = arith.constant 0 : index
      %swap3A_540 = tpu.vector_load %arg14[%swap3A_539] {strides = array<i32>} : memref<16xf32, #tpu.memory_space<vmem>>, vector<16xf32>,
      tpu.vector_store %arg14[%swap3A_539], %div3A_538 {strides = array<i32>} : memref<16xf32, #tpu.memory_space<vmem>>, vector<16xf32>,
      "tpu.region"() ({
        %run_scoped3A = tpu.sem_alloc : memref<!tpu.dma_semaphore, #tpu.memory_space<semaphore_mem>>
        %dma_start3A_541 = arith.constant 0 : i32
        %dma_start3A_542 = tpu.memref_slice %arg14[%dma_start3A_541] : memref<16xf32, #tpu.memory_space<vmem>> -> memref<1xf32, #tpu.memory_space<vmem>>
        %dma_start3A_543 = arith.constant 0 : i32
        %dma_start3A_544 = tpu.memref_slice %arg14[%dma_start3A_543] : memref<16xf32, #tpu.memory_space<vmem>> -> memref<1xf32, #tpu.memory_space<vmem>>
        tpu.enqueue_dma source(%dma_start3A_544 : memref<1xf32, #tpu.memory_space<vmem>>) target(%arg4 : memref<1xf32, #tpu.memory_space<hbm>>) target_semaphore(%run_scoped3A : memref<!tpu.dma_semaphore, #tpu.memory_space<semaphore_mem>>)
        %dma_wait3A_545 = arith.constant 0 : i32
        %dma_wait3A_546 = tpu.memref_slice %arg14[%dma_wait3A_545] : memref<16xf32, #tpu.memory_space<vmem>> -> memref<1xf32, #tpu.memory_space<vmem>>
        %dma_wait3A_547 = arith.constant 0 : i32
        %dma_wait3A_548 = tpu.memref_slice %arg14[%dma_wait3A_547] : memref<16xf32, #tpu.memory_space<vmem>> -> memref<1xf32, #tpu.memory_space<vmem>>
        tpu.wait_dma2 semaphore(%run_scoped3A : memref<!tpu.dma_semaphore, #tpu.memory_space<semaphore_mem>>) src(%dma_wait3A_548 : memref<1xf32, #tpu.memory_space<vmem>>) dst(%arg4 : memref<1xf32, #tpu.memory_space<hbm>>)
        tpu.yield
      }) : () -> ()
    } else {
    }
    return
  }
}

</mosaic_0001>

<sc_bundles>
// kernel: _idloss.3.cloned.1.call-start
scs
__scs_entry_jumppad:
0x0: {  	(pc) =	sbr.rel $0x88, $3  }
0x1: {  	(tag) =	ssettag $0x0;
	lr =	simm.s32 $0x1  }
0x2: {  	[smem:$0x3F9F] =	sst lr;
	_ =	strace $0xD0000000  }
0x3: {  	_ = 	snop  }
0x4: {  	_ = 	snop  }
0x5: {  	_ = 	snop  }
0x6: {  	_ = 	snop  }
0x7: {  	_ = 	snop  }
__scs_overlays_trampoline_lowered:
0x8: {  	[smem:$0x3FAE] =	sst s0  }
0x9: {  	[smem:$0x3FAF] =	sst s1  }
0xa: {  	[smem:$0x3FB0] =	sst s2  }
0xb: {  	[smem:$0x3FB1] =	sst s3  }
0xc: {  	[smem:$0x3FB2] =	sst s4  }
0xd: {  	[smem:$0x3FB3] =	sst s5  }
0xe: {  	[smem:$0x3FB4] =	sst s6  }
0xf: {  	[smem:$0x3FB5] =	sst s7  }
0x10: {  	[smem:$0x3FB6] =	sst s8  }
0x11: {  	[smem:$0x3FB7] =	sst s9;
	s0 =	simm.s32 @!p0 $0x0  }
0x12: {  	s1 =	sld [smem:$0x3F9D];
	s0 =	simm.s32 @p0 $0x1  }
0x13: {  	[smem:$0x3FB8] =	sst s0;
	s0 =	simm.s32 @!p1 $0x0  }
0x14: {  	s2 =	sld [smem:$0x3F9C];
	s0 =	simm.s32 @p1 $0x1  }
0x15: {  	[smem:$0x3FB9] =	sst s0;
	s0 =	simm.s32 @!p2 $0x0  }
0x16: {  	s3 =	sld [smem:$0x3FDB];
	s0 =	simm.s32 @p2 $0x1  }
0x17: {  	s4 =	simm.s32 $0x1BF5;
	[smem:$0x3FBB] =	sst s0  }
0x18: {  	s0 =	sld [smem:$0x3F9E];
	_ =	swait.ge [sflag:s4], $0x0  }
0x19: {  	s7 =	sld [smem:$0x3F9F]  }
0x1a: {  	s8 =	sadd.s32 $0xFFFFE003, lr  }
0x1b: {  	s9 =	sadd.s32 $0xFFFFFEF7, lr;
	s5 =	simm.s32 $0xFFFFFFFF;
	p2 =	slt.u32 s8, $0xFFFFF086  }
0x1c: {  	p1 =	slt.u32 s9, $0xF7A;
	s5 =	simm.s32 @!p2 $0x0  }
0x1d: {  	s5 =	simm.s32 @p1 $0x1;
	p0 =	seq.s32 s7, s2  }
0x1e: {  	s7 =	smul.u32 @!p0 $0xF7A, s2;
	p2 =	seq.s32 @!p0 s5, $0x0  }
0x1f: {  	s9 =	smul.u32 $0xF7A, s1;
	s8 =	simm.s32 @!p0 $0x1BF5;
	p2 =	por !p2, p0  }
0x20: {  	[sflag:s8] =	ssyncset.s32 @!p0 $0xFFFFF086;
	s6 =	sadd.s32 @!p0 s3, s7;
	s7 =	simm.s32 @!p0 $0x108  }
0x21: {  	s3 =	sadd.s32 s3, s9;
	s6 =	sadd.s32 @!p0 $0x88, s6;
	s7 =	simm.s32 @p2 $0x1082  }
0x22: {  	[simem:s7], [sflag:s8] =	dma.local @!p0 [hbm:s6], $0xF7A  }
0x23: {  	s9 =	sor.u32 $0xD0000000, s2;
	s6 =	simm.s32 $0x108;
	_ =	swait.ge @!p0 [sflag:s8], $0x0  }
0x24: {  	s3 =	sadd.s32 $0x88, s3;
	s6 =	simm.s32 @!p1 $0x1082;
	[sflag:s4] =	ssyncset.s32 $0xFFFFF086  }
0x25: {  	[simem:s6], [sflag:s4] =	dma.local [hbm:s3], $0xF7A  }
0x26: {  	[smem:$0x3F9F] =	sst s1;
	(tag) =	ssettag s2;
	_ =	strace s9  }
0x27: {  	s1 =	sld [smem:$0x3FAF]  }
0x28: {  	s2 =	sld [smem:$0x3FB0]  }
0x29: {  	s4 =	sld [smem:$0x3FB2]  }
0x2a: {  	p0 =	seq.s32 s5, $0x0;
	s5 =	sld [smem:$0x3FB3]  }
0x2b: {  	s6 =	sld [smem:$0x3FB4]  }
0x2c: {  	s7 =	sld [smem:$0x3FB5]  }
0x2d: {  	s3 =	simm.s32 $0x108;
	s8 =	sld [smem:$0x3FB6]  }
0x2e: {  	s3 =	simm.s32 @!p0 $0x1082;
	s9 =	sld [smem:$0x3FB7]  }
0x2f: {  	lr =	sadd.s32 s0, s3;
	s0 =	sld [smem:$0x3FAE]  }
0x30: {  	s3 =	sld [smem:$0x3FB1]  }
0x31: {  	[smem:$0x3FBA] =	sst s10  }
0x32: {  	s10 =	sld [smem:$0x3FB8];
	_ =	sdelay $0x3  }
0x33: {  	p0 =	seq.s32 s10, $0x1;
	s10 =	sld [smem:$0x3FBA];
	_ =	sdelay $0x3  }
0x34: {  	[smem:$0x3FBA] =	sst s10  }
0x35: {  	s10 =	sld [smem:$0x3FB9];
	_ =	sdelay $0x3  }
0x36: {  	p1 =	seq.s32 s10, $0x1;
	s10 =	sld [smem:$0x3FBA];
	_ =	sdelay $0x3  }
0x37: {  	[smem:$0x3FBA] =	sst s10  }
0x38: {  	s10 =	sld [smem:$0x3FBB]  }
0x39: {  	_ = 	snop;
	(pc) =	sbr.ind lr, $3  }
0x3a: {  	_ = 	snop  }
0x3b: {  	_ = 	snop  }
0x3c: {  	p2 =	seq.s32 s10, $0x1;
	s10 =	sld [smem:$0x3FBA]  }
0x3d: {  	_ =	shalt  }
0x3e: {  	_ =	shalt  }
0x3f: {  	_ =	shalt  }
0x40: {  	_ =	shalt  }
0x41: {  	_ =	shalt  }
0x42: {  	_ =	shalt  }
0x43: {  	_ =	shalt  }
0x44: {  	_ =	shalt  }
0x45: {  	_ =	shalt  }
0x46: {  	_ =	shalt  }
0x47: {  	_ =	shalt  }
0x48: {  	_ =	shalt  }
0x49: {  	_ =	shalt  }
0x4a: {  	_ =	shalt  }
0x4b: {  	_ =	shalt  }
0x4c: {  	_ =	shalt  }
0x4d: {  	_ =	shalt  }
0x4e: {  	_ =	shalt  }
0x4f: {  	_ =	shalt  }
0x50: {  	_ =	shalt  }
0x51: {  	_ =	shalt  }
0x52: {  	_ =	shalt  }
0x53: {  	_ =	shalt  }
0x54: {  	_ =	shalt  }
0x55: {  	_ =	shalt  }
0x56: {  	_ =	shalt  }
0x57: {  	_ =	shalt  }
0x58: {  	_ =	shalt  }
0x59: {  	_ =	shalt  }
0x5a: {  	_ =	shalt  }
0x5b: {  	_ =	shalt  }
0x5c: {  	_ =	shalt  }
0x5d: {  	_ =	shalt  }
0x5e: {  	_ =	shalt  }
0x5f: {  	_ =	shalt  }
0x60: {  	_ =	shalt  }
0x61: {  	_ =	shalt  }
0x62: {  	_ =	shalt  }
0x63: {  	_ =	shalt  }
0x64: {  	_ =	shalt  }
0x65: {  	_ =	shalt  }
0x66: {  	_ =	shalt  }
0x67: {  	_ =	shalt  }
0x68: {  	_ =	shalt  }
0x69: {  	_ =	shalt  }
0x6a: {  	_ =	shalt  }
0x6b: {  	_ =	shalt  }
0x6c: {  	_ =	shalt  }
0x6d: {  	_ =	shalt  }
0x6e: {  	_ =	shalt  }
0x6f: {  	_ =	shalt  }
0x70: {  	_ =	shalt  }
0x71: {  	_ =	shalt  }
0x72: {  	_ =	shalt  }
0x73: {  	_ =	shalt  }
0x74: {  	_ =	shalt  }
0x75: {  	_ =	shalt  }
0x76: {  	_ =	shalt  }
0x77: {  	_ =	shalt  }
0x78: {  	_ =	shalt  }
0x79: {  	_ =	shalt  }
0x7a: {  	_ =	shalt  }
0x7b: {  	_ =	shalt  }
0x7c: {  	_ =	shalt  }
0x7d: {  	_ =	shalt  }
0x7e: {  	_ =	shalt  }
0x7f: {  	_ =	shalt  }
0x80: {  	_ =	shalt  }
0x81: {  	_ =	shalt  }
0x82: {  	_ =	shalt  }
0x83: {  	_ =	shalt  }
0x84: {  	_ =	shalt  }
0x85: {  	_ =	shalt  }
0x86: {  	_ =	shalt  }
0x87: {  	_ =	shalt  }
.Lfunc_end0:
.L_simem_size_0:
called_computation_lowered:
.L_overlay_start_0:
0x88: {  	s0 =	sld [smem:$0x3FD9]  }
0x89: {  	s1 =	sld [smem:$0x3FFE];
	_ =	sdelay $0x3  }
0x8a: {  	s0 =	sadd.s32 s1, s0  }
0x8b: {  	[smem:$0x3FC6] =	sst s0  }
0x8c: {  	_ = 	snop  }
0x8d: {  	s0 =	sld [smem:$0x3FC9]  }
0x8e: {  	s17 =	sld [smem:$0x3FC8]  }
0x8f: {  	s2 =	sld [smem:$0x3FD0];
	(tm) =	ssettm $0x1  }
0x90: {  	s3 =	sld [smem:$0x3FFB];
	_ =	sdelay $0x3  }
0x91: {  	_ =	strace s3  }
0x92: {  	s3 =	sld [smem:$0x3FFC];
	_ =	sdelay $0x3  }
0x93: {  	_ =	strace s3  }
0x94: {  	s3 =	sld [smem:$0x3FFD];
	_ =	sdelay $0x3  }
0x95: {  	_ =	strace s3  }
0x96: {  	_ =	strace $0x8FFFFFFF  }
0x97: {  	s18 =	sld [smem:$0x3FDB];
	_ =	sdelay $0x1  }
0x98: {  	s4 =	simm.s32 $_scs_section_size  }
0x99: {  	s5 =	simm.s32 $_size__tile_overlayer_lowered;
	s6 =	simm.s32 $_tile_overlayer_lowered  }
0x9a: {  	s21 =	simm.s32 $0x1BFF;
	s20 =	sshll.u32 s6, $0x1;
	s3 =	sadd.s32 s4, s18  }
0x9b: {  	s7 =	simm.s32 $0x0;
	s19 =	sshll.u32 s5, $0x1;
	s5 =	sadd.s32 s20, s3  }
0x9c: {  	[timem:s7], [sflag:s21] =	dma.local [hbm:s5], s19  }
0x9d: {  	_ =	swait.ge [sflag:s21], s19  }
0x9e: {  	s4 =	ssub.s32 $0x0, s19;
	[sflag:s21] =	ssyncset.done $0x0  }
0x9f: {  	[sflag:s21] =	ssyncadd.s32 s4;
	_ =	sdelay $0x1  }
0xa0: {  	s22 =	simm.s32 $0x1B8B  }
0xa1: {  	_ =	swait.ge [sflag:s22], $0x1  }
0xa2: {  	[sflag:s22] =	ssyncset.done $0x0  }
0xa3: {  	s23 =	simm.s32 $0x1B8E;
	[sflag:s22] =	ssyncadd.s32 $0xFFFFFFFF  }
0xa4: {  	s24 =	simm.s32 $execute0_lowered;
	[smem:$0x3FD2] =	sst s23  }
0xa5: {  	s4 =	sshll.u32 s24, $0x1;
	_ =	strace $0x80000046;
	[dreg:$0x1] =	wrdreg $0xFFFFFFFF  }
0xa6: {  	s25 =	simm.s32 $_size_execute0_lowered;
	s3 =	sadd.s32 s3, s4;
	[dreg:$0x0] =	wrdreg $0x0  }
0xa7: {  	s4 =	sshll.u32 s25, $0x1;
	[dreg:$0x2] =	wrdreg s3  }
0xa8: {  	[dreg:$0x3] =	wrdreg s4  }
0xa9: {  	[dreg:$0x4] =	wrdreg $0xC0  }
0xaa: {  	_ =	task [dreg:s7], $0x5FFFF  }
0xab: {  	[dreg:$0x1] =	wrdreg $0xFFFFFFFF  }
0xac: {  	[dreg:$0x0] =	wrdreg $0x60  }
0xad: {  	[dreg:$0x2] =	wrdreg s0  }
0xae: {  	[dreg:$0x3] =	wrdreg s17  }
0xaf: {  	[dreg:$0x4] =	wrdreg s2  }
0xb0: {  	[dreg:$0x5] =	wrdreg $0x39000  }
0xb1: {  	[dreg:$0x6] =	wrdreg $0x9  }
0xb2: {  	_ =	task.clear_ibuf [dreg:s7], $0x7FFFF;
	_ =	strace $0x90000046  }
0xb3: {  	s26 =	simm.s32 $0x9;
	_ =	strace $0x80000048  }
0xb4: {  	_ =	swait.ge [sflag:s26], $0x1  }
0xb5: {  	[sflag:s26] =	ssyncadd.s32 $0xFFFFFFFF  }
0xb6: {  	_ =	strace $0x90000048  }
0xb7: {  	_ =	sfence  }
0xb8: {  	s28 =	sld [smem:$0x0];
	_ =	sdelay $0x1  }
0xb9: {  	s29 =	srdreg.scid  }
0xba: {  	s30 =	sshll.u32 s29, $0xD;
	s31 =	sshrl.u32 s29, $0x2  }
0xbb: {  	s1 =	sand.u32 $0x1, s29;
	s2 =	sand.u32 $0x4000, s30;
	s0 =	sadd.s32 s31, s28  }
0xbc: {  	s1 =	sor.u32 s2, s1;
	s0 =	sshll.u32 s0, $0x11  }
0xbd: {  	s0 =	sor.u32 s0, s1  }
0xbe: {  	s0 =	sadd.s32 $0x8F2B, s0  }
0xbf: {  	[sflag:s0] =	ssyncadd.remote.s32 $0x1  }
0xc0: {  	_ =	sfence.sel $0xFFFF  }
0xc1: {  	[dreg:$0x0] =	wrdreg $0xFFFFFFFF;
	(pc) =	sbr.abs _section_cstart, $3  }
0xc2: {  	[dreg:$0x1] =	wrdreg $0xFFFFFFFF  }
0xc3: {  	_ =	task.clear_ibuf [dreg:s7], $0x2FFFF;
	_ =	strace $0x9FFFFFFF  }
0xc4: {  	(tm) =	ssettm $0x7FFFFFFF  }
0xc5: {  	_ =	shalt  }
tec
execute0_lowered:
.L_overlay_start_1:
0x0: {  	(tag) =	ssettag $0x1  }
0x1: {  	s6 =	rddreg [dreg:$0x0]  }
0x2: {  	s4 =	rddreg [dreg:$0x1]  }
0x3: {  	s1 =	rddreg [dreg:$0x2];
	s3 =	stileid.u32  }
0x4: {  	s2 =	rddreg [dreg:$0x3];
	s7 =	smul.u32 $0x1860, s3  }
0x5: {  	s0 =	rddreg [dreg:$0x4];
	s5 =	simm.s32 $0x0  }
0x6: {  	[smem:$0x7FF] =	sst s5;
	s7 =	sshrl.u32 s7, $0x3  }
0x7: {  	p0 =	sgt.u32 s3, $0x9;
	_ =	strace $0x80000047;
	s8 =	sadd.s32 s6, s7  }
0x8: {  	[tilespmem:s5], [sflag:$0x1] =	stream.linear.gather [hbm4b:s8+s5], $0xC30, $0x38;
	[tilespmem:$0x3930] =	vst v63  }
0x9: {  	s8 =	sshll.u32 @!p0 s3, $0x1  }
0xa: {  	s9 =	simm.s32 $0x1880;
	s24 =	sadd.s32 s4, s7;
	s8 =	sor.u32 @!p0 $0x30C0, s8  }
0xb: {  	[tilespmem:s9], [sflag:$0x1] =	stream.linear.gather [hbm4b:s24+s5], $0xC30, $0x38;
	[tilespmem:$0x3930] =	vst v63  }
0xc: {  	s10 =	simm.s32 @!p0 $0x0;
	s11 =	simm.s32 @!p0 $0x3100;
	s9 =	sadd.s32 @!p0 s6, s8  }
0xd: {  	[tilespmem:s11], [sflag:$0x3] =	stream.linear.gather @!p0 [hbm4b:s9+s10], $0x10, $0x38;
	[tilespmem:$0x3930] =	vst v63  }
0xe: {  	s8 =	sadd.s32 @!p0 s4, s8;
	s9 =	simm.s32 @!p0 $0x3180  }
0xf: {  	v0 =	vimm.f32 $0.0e+00;
	[tilespmem:s9], [sflag:$0x3] =	stream.linear.gather @!p0 [hbm4b:s8+s10], $0x10, $0x38;
	[tilespmem:$0x3930] =	vst v63  }
0x10: {  	[tilespmem:$0x3200] =	vst v0  }
0x11: {  	[tilespmem:$0x3300] =	vst v0  }
0x12: {  	[tilespmem:$0x3400] =	vst v0  }
0x13: {  	[tilespmem:$0x3210] =	vst v0  }
0x14: {  	[tilespmem:$0x3310] =	vst v0  }
0x15: {  	[tilespmem:$0x3410] =	vst v0  }
0x16: {  	[tilespmem:$0x3220] =	vst v0  }
0x17: {  	[tilespmem:$0x3320] =	vst v0  }
0x18: {  	[tilespmem:$0x3420] =	vst v0  }
0x19: {  	[tilespmem:$0x3230] =	vst v0  }
0x1a: {  	[tilespmem:$0x3330] =	vst v0  }
0x1b: {  	[tilespmem:$0x3430] =	vst v0  }
0x1c: {  	[tilespmem:$0x3240] =	vst v0  }
0x1d: {  	[tilespmem:$0x3340] =	vst v0  }
0x1e: {  	[tilespmem:$0x3440] =	vst v0  }
0x1f: {  	[tilespmem:$0x3250] =	vst v0  }
0x20: {  	[tilespmem:$0x3350] =	vst v0  }
0x21: {  	[tilespmem:$0x3450] =	vst v0  }
0x22: {  	[tilespmem:$0x3260] =	vst v0  }
0x23: {  	[tilespmem:$0x3360] =	vst v0  }
0x24: {  	[tilespmem:$0x3460] =	vst v0  }
0x25: {  	[tilespmem:$0x3270] =	vst v0  }
0x26: {  	[tilespmem:$0x3370] =	vst v0  }
0x27: {  	[tilespmem:$0x3470] =	vst v0  }
0x28: {  	[tilespmem:$0x3280] =	vst v0  }
0x29: {  	[tilespmem:$0x3380] =	vst v0  }
0x2a: {  	[tilespmem:$0x3480] =	vst v0  }
0x2b: {  	[tilespmem:$0x3290] =	vst v0  }
0x2c: {  	[tilespmem:$0x3390] =	vst v0  }
0x2d: {  	[tilespmem:$0x3490] =	vst v0  }
0x2e: {  	[tilespmem:$0x32A0] =	vst v0  }
0x2f: {  	[tilespmem:$0x33A0] =	vst v0  }
0x30: {  	[tilespmem:$0x34A0] =	vst v0  }
0x31: {  	[tilespmem:$0x32B0] =	vst v0  }
0x32: {  	[tilespmem:$0x33B0] =	vst v0  }
0x33: {  	[tilespmem:$0x34B0] =	vst v0  }
0x34: {  	[tilespmem:$0x32C0] =	vst v0  }
0x35: {  	[tilespmem:$0x33C0] =	vst v0  }
0x36: {  	[tilespmem:$0x34C0] =	vst v0  }
0x37: {  	[tilespmem:$0x32D0] =	vst v0  }
0x38: {  	[tilespmem:$0x33D0] =	vst v0  }
0x39: {  	[tilespmem:$0x34D0] =	vst v0  }
0x3a: {  	[tilespmem:$0x32E0] =	vst v0  }
0x3b: {  	[tilespmem:$0x33E0] =	vst v0  }
0x3c: {  	[tilespmem:$0x34E0] =	vst v0  }
0x3d: {  	[tilespmem:$0x32F0] =	vst v0  }
0x3e: {  	[tilespmem:$0x33F0] =	vst v0  }
0x3f: {  	s25 =	simm.s32 $0x1;
	[tilespmem:$0x34F0] =	vst v0  }
0x40: {  	_ =	swait.ge [sflag:s25], $0xC30  }
0x41: {  	[sflag:s25] =	ssyncset.done $0x0  }
0x42: {  	[sflag:s25] =	ssyncadd.s32 $0xFFFFF3D0  }
0x43: {  	_ =	swait.ge [sflag:s25], $0xC30  }
0x44: {  	s7 =	sadd.s32 $0x186, s7;
	[sflag:s25] =	ssyncset.done $0x0  }
0x45: {  	s26 =	simm.s32 $0xC30;
	s6 =	sadd.s32 s6, s7;
	[sflag:s25] =	ssyncadd.s32 $0xFFFFF3D0  }
0x46: {  	[tilespmem:s26], [sflag:$0x2] =	stream.linear.gather [hbm4b:s6+s5], $0xC30, $0x38;
	[tilespmem:$0x3930] =	vst v63  }
0x47: {  	s28 =	simm.s32 $0x24B0;
	s29 =	simm.s32 $0x18E0;
	s4 =	sadd.s32 s4, s7  }
0x48: {  	[tilespmem:s28], [sflag:$0x2] =	stream.linear.gather [hbm4b:s4+s5], $0xC30, $0x38;
	[tilespmem:$0x3930] =	vst v63  }
0x49: {  	v1 =	vld [tilespmem:s29+$0x60]  }
0x4a: {  	v2 =	vld [tilespmem:s29+$0xFFFFFFA0]  }
0x4b: {  	s30 =	sand.u32 $0xFF0, s5;
	v3 =	vld [tilespmem:s29+$0xFFFFFFB0]  }
0x4c: {  	s6 =	simm.s32 $0x60;
	v4 =	vld [tilespmem:s30+$0x1900]  }
0x4d: {  	v5 =	vld [tilespmem:s6+$0x60]  }
0x4e: {  	v6 =	vld [tilespmem:s6+$0xFFFFFFB0]  }
0x4f: {  	v8 =	vld [tilespmem:s6+$0xFFFFFFC0]  }
0x50: {  	v9 =	vld [tilespmem:s30+$0x80]  }
0x51: {  	v10 =	vld [tilespmem:s6+$0xFFFFFFD0]  }
0x52: {  	v11 =	vld [tilespmem:s6+$0xFFFFFFE0]  }
0x53: {  	v46 =	vld [tilespmem:s6+$0xFFFFFFF0]  }
0x54: {  	v47 =	vld [tilespmem:s6+$0x0]  }
0x55: {  	v48 =	vld [tilespmem:s6+$0x10]  }
0x56: {  	v49 =	vld [tilespmem:s6+$0x30]  }
0x57: {  	v50 =	vld [tilespmem:s6+$0x40]  }
0x58: {  	v13 =	vld [tilespmem:s6+$0x50]  }
0x59: {  	v14 =	vld [tilespmem:s6+$0xFFFFFFA0]  }
0x5a: {  	v15 =	vld [tilespmem:s29+$0xFFFFFFC0]  }
0x5b: {  	v0 =	vlaneseq.u32;
	v16 =	vld [tilespmem:s29+$0xFFFFFFD0]  }
0x5c: {  	v0 =	vmul.u32 $0x10, v0;
	v17 =	vld [tilespmem:s29+$0xFFFFFFE0]  }
0x5d: {  	v18 =	vld [tilespmem:s29+$0xFFFFFFF0]  }
0x5e: {  	v19 =	vld [tilespmem:s29+$0x0];
	v7 =	vadd.s32 v0, v1  }
0x5f: {  	v21 =	vld [tilespmem:s29+$0x30];
	v4 =	vadd.s32 v0, v4  }
0x60: {  	v20 =	vld [tilespmem:s29+$0x10];
	v2 =	vadd.s32 v0, v2  }
0x61: {  	v22 =	vld [tilespmem:s29+$0x40];
	v3 =	vadd.s32 v0, v3  }
0x62: {  	s7 =	simm.s32 $0x3200;
	v24 =	vld [tilespmem:s29+$0x50];
	v51 =	vadd.s32 v0, v15  }
0x63: {  	v55 =	vadd.s32 v0, v18;
	[tilespmem:v7+s7+$0x0] =	vst.idx.add.f32.msk $0xffff, v5  }
0x64: {  	v59 =	vadd.s32 v0, v21;
	[tilespmem:v4+s7+$0x0] =	vst.idx.add.f32.msk $0xffff, v9  }
0x65: {  	[tilespmem:v2+s7+$0x0] =	vst.idx.add.f32.msk $0xffff, v14  }
0x66: {  	[tilespmem:v3+s7+$0x0] =	vst.idx.add.f32.msk $0xffff, v6  }
0x67: {  	[tilespmem:v51+s7+$0x0] =	vst.idx.add.f32.msk $0xffff, v8  }
0x68: {  	v12 =	vmul.f32 v5, v5;
	[tilespmem:v55+s7+$0x0] =	vst.idx.add.f32.msk $0xffff, v46  }
0x69: {  	s8 =	simm.s32 $0x3300;
	v23 =	vmul.f32 v14, v14;
	[tilespmem:v59+s7+$0x0] =	vst.idx.add.f32.msk $0xffff, v49  }
0x6a: {  	v52 =	vmul.f32 v6, v6;
	[tilespmem:v7+s8+$0x0] =	vst.idx.add.f32.msk $0xffff, v12  }
0x6b: {  	[tilespmem:v2+s8+$0x0] =	vst.idx.add.f32.msk $0xffff, v23  }
0x6c: {  	s9 =	simm.s32 $0x3400;
	v1 =	vimm.f32 $1.000000000e+00;
	[tilespmem:v3+s8+$0x0] =	vst.idx.add.f32.msk $0xffff, v52  }
0x6d: {  	v45 =	vmul.f32 v9, v9;
	[tilespmem:v2+s9+$0x0] =	vst.idx.add.f32.msk $0xffff, v1;
	v2 =	vadd.s32 v0, v16  }
0x6e: {  	v53 =	vmul.f32 v8, v8;
	[tilespmem:v3+s9+$0x0] =	vst.idx.add.f32.msk $0xffff, v1;
	v3 =	vadd.s32 v0, v17  }
0x6f: {  	v57 =	vmul.f32 v46, v46;
	[tilespmem:v4+s8+$0x0] =	vst.idx.add.f32.msk $0xffff, v45  }
0x70: {  	[tilespmem:v51+s8+$0x0] =	vst.idx.add.f32.msk $0xffff, v53  }
0x71: {  	[tilespmem:v55+s8+$0x0] =	vst.idx.add.f32.msk $0xffff, v57  }
0x72: {  	v54 =	vmul.f32 v10, v10;
	[tilespmem:v2+s7+$0x0] =	vst.idx.add.f32.msk $0xffff, v10  }
0x73: {  	v56 =	vmul.f32 v11, v11;
	[tilespmem:v3+s7+$0x0] =	vst.idx.add.f32.msk $0xffff, v11  }
0x74: {  	[tilespmem:v2+s8+$0x0] =	vst.idx.add.f32.msk $0xffff, v54  }
0x75: {  	[tilespmem:v3+s8+$0x0] =	vst.idx.add.f32.msk $0xffff, v56  }
0x76: {  	v61 =	vmul.f32 v49, v49;
	[tilespmem:v2+s9+$0x0] =	vst.idx.add.f32.msk $0xffff, v1;
	v2 =	vadd.s32 v0, v19  }
0x77: {  	[tilespmem:v3+s9+$0x0] =	vst.idx.add.f32.msk $0xffff, v1;
	v3 =	vadd.s32 v0, v20  }
0x78: {  	[tilespmem:v59+s8+$0x0] =	vst.idx.add.f32.msk $0xffff, v61  }
0x79: {  	[tilespmem:v7+s9+$0x0] =	vst.idx.add.f32.msk $0xffff, v1  }
0x7a: {  	[tilespmem:v4+s9+$0x0] =	vst.idx.add.f32.msk $0xffff, v1  }
0x7b: {  	v58 =	vmul.f32 v47, v47;
	[tilespmem:v2+s7+$0x0] =	vst.idx.add.f32.msk $0xffff, v47  }
0x7c: {  	v60 =	vmul.f32 v48, v48;
	[tilespmem:v3+s7+$0x0] =	vst.idx.add.f32.msk $0xffff, v48  }
0x7d: {  	[tilespmem:v2+s8+$0x0] =	vst.idx.add.f32.msk $0xffff, v58  }
0x7e: {  	[tilespmem:v3+s8+$0x0] =	vst.idx.add.f32.msk $0xffff, v60  }
0x7f: {  	[tilespmem:v2+s9+$0x0] =	vst.idx.add.f32.msk $0xffff, v1;
	v2 =	vadd.s32 v0, v22  }
0x80: {  	[tilespmem:v3+s9+$0x0] =	vst.idx.add.f32.msk $0xffff, v1;
	v3 =	vadd.s32 v0, v24  }
0x81: {  	[tilespmem:v51+s9+$0x0] =	vst.idx.add.f32.msk $0xffff, v1  }
0x82: {  	[tilespmem:v55+s9+$0x0] =	vst.idx.add.f32.msk $0xffff, v1  }
0x83: {  	[tilespmem:v59+s9+$0x0] =	vst.idx.add.f32.msk $0xffff, v1  }
0x84: {  	v62 =	vmul.f32 v50, v50;
	[tilespmem:v2+s7+$0x0] =	vst.idx.add.f32.msk $0xffff, v50  }
0x85: {  	v63 =	vmul.f32 v13, v13;
	[tilespmem:v3+s7+$0x0] =	vst.idx.add.f32.msk $0xffff, v13  }
0x86: {  	s31 =	smul.u32 $0xC0, s3;
	[tilespmem:v2+s8+$0x0] =	vst.idx.add.f32.msk $0xffff, v62  }
0x87: {  	[tilespmem:v3+s8+$0x0] =	vst.idx.add.f32.msk $0xffff, v63  }
0x88: {  	s4 =	sshrl.u32 s31, $0x2;
	[tilespmem:v2+s9+$0x0] =	vst.idx.add.f32.msk $0xffff, v1  }
0x89: {  	s11 =	simm.s32 $0x19B0;
	s10 =	simm.s32 $0x0;
	s4 =	sadd.s32 s4, s2;
	[tilespmem:v3+s9+$0x0] =	vst.idx.add.f32.msk $0xffff, v1  }
.LBB2_1:
0x8a: {  	v2 =	vld [tilespmem:s11+$0x60]  }
0x8b: {  	s5 =	sadd.s32 $0xD0, s5;
	v3 =	vld [tilespmem:s11+$0xFFFFFFA0]  }
0x8c: {  	s12 =	sand.u32 $0xFF0, s5;
	v4 =	vld [tilespmem:s11+$0xFFFFFFB0]  }
0x8d: {  	s6 =	sadd.s32 $0xD0, s6;
	v5 =	vld [tilespmem:s12+$0x1900]  }
0x8e: {  	s10 =	sadd.s32 $0xD, s10;
	v6 =	vld [tilespmem:s6+$0x60]  }
0x8f: {  	p1 =	slt.u32 s10, $0xB6;
	v7 =	vld [tilespmem:s6+$0xFFFFFFB0];
	v2 =	vadd.s32 v0, v2  }
0x90: {  	v3 =	vadd.s32 v0, v3;
	v8 =	vld [tilespmem:s6+$0xFFFFFFC0]  }
0x91: {  	v4 =	vadd.s32 v0, v4;
	v9 =	vld [tilespmem:s12+$0x80]  }
0x92: {  	v10 =	vld [tilespmem:s6+$0xFFFFFFD0];
	v5 =	vadd.s32 v0, v5  }
0x93: {  	v11 =	vld [tilespmem:s6+$0xFFFFFFE0];
	v12 =	vmul.f32 v6, v6  }
0x94: {  	v13 =	vmul.f32 v7, v7;
	[tilespmem:v2+s7+$0x0] =	vst.idx.add.f32.msk $0xffff, v6  }
0x95: {  	v6 =	vmul.f32 v8, v8;
	[tilespmem:v2+s8+$0x0] =	vst.idx.add.f32.msk $0xffff, v12  }
0x96: {  	v12 =	vmul.f32 v9, v9;
	[tilespmem:v2+s9+$0x0] =	vst.idx.add.f32.msk $0xffff, v1  }
0x97: {  	v2 =	vmul.f32 v10, v10;
	[tilespmem:v5+s7+$0x0] =	vst.idx.add.f32.msk $0xffff, v9  }
0x98: {  	v9 =	vmul.f32 v11, v11;
	[tilespmem:v5+s8+$0x0] =	vst.idx.add.f32.msk $0xffff, v12  }
0x99: {  	[tilespmem:v5+s9+$0x0] =	vst.idx.add.f32.msk $0xffff, v1  }
0x9a: {  	v5 =	vld [tilespmem:s6+$0xFFFFFFF0]  }
0x9b: {  	v12 =	vld [tilespmem:s6+$0x0]  }
0x9c: {  	v14 =	vld [tilespmem:s6+$0x10]  }
0x9d: {  	v15 =	vld [tilespmem:s6+$0x30]  }
0x9e: {  	v16 =	vld [tilespmem:s6+$0x40]  }
0x9f: {  	v17 =	vmul.f32 v5, v5;
	v18 =	vld [tilespmem:s6+$0x50]  }
0xa0: {  	v19 =	vld [tilespmem:s6+$0xFFFFFFA0];
	v20 =	vmul.f32 v12, v12  }
0xa1: {  	v21 =	vld [tilespmem:s11+$0xFFFFFFC0];
	v22 =	vmul.f32 v14, v14  }
0xa2: {  	v23 =	vld [tilespmem:s11+$0xFFFFFFD0];
	v24 =	vmul.f32 v15, v15  }
0xa3: {  	v25 =	vld [tilespmem:s11+$0xFFFFFFE0];
	v26 =	vmul.f32 v16, v16  }
0xa4: {  	v27 =	vld [tilespmem:s11+$0xFFFFFFF0];
	v28 =	vmul.f32 v18, v18  }
0xa5: {  	v29 =	vmul.f32 v19, v19;
	v30 =	vld [tilespmem:s11+$0x0]  }
0xa6: {  	v21 =	vadd.s32 v0, v21;
	v31 =	vld [tilespmem:s11+$0x10]  }
0xa7: {  	v23 =	vadd.s32 v0, v23;
	v32 =	vld [tilespmem:s11+$0x30]  }
0xa8: {  	v25 =	vadd.s32 v0, v25;
	v33 =	vld [tilespmem:s11+$0x40]  }
0xa9: {  	v27 =	vadd.s32 v0, v27;
	v34 =	vld [tilespmem:s11+$0x50]  }
0xaa: {  	[tilespmem:v3+s7+$0x0] =	vst.idx.add.f32.msk $0xffff, v19;
	v19 =	vadd.s32 v0, v30  }
0xab: {  	[tilespmem:v3+s8+$0x0] =	vst.idx.add.f32.msk $0xffff, v29;
	v29 =	vadd.s32 v0, v31  }
0xac: {  	[tilespmem:v3+s9+$0x0] =	vst.idx.add.f32.msk $0xffff, v1;
	v3 =	vadd.s32 v0, v32  }
0xad: {  	[tilespmem:v4+s7+$0x0] =	vst.idx.add.f32.msk $0xffff, v7;
	v7 =	vadd.s32 v0, v33  }
0xae: {  	[tilespmem:v4+s8+$0x0] =	vst.idx.add.f32.msk $0xffff, v13;
	v13 =	vadd.s32 v0, v34  }
0xaf: {  	[tilespmem:v4+s9+$0x0] =	vst.idx.add.f32.msk $0xffff, v1  }
0xb0: {  	[tilespmem:v21+s7+$0x0] =	vst.idx.add.f32.msk $0xffff, v8  }
0xb1: {  	[tilespmem:v21+s8+$0x0] =	vst.idx.add.f32.msk $0xffff, v6  }
0xb2: {  	[tilespmem:v21+s9+$0x0] =	vst.idx.add.f32.msk $0xffff, v1  }
0xb3: {  	[tilespmem:v23+s7+$0x0] =	vst.idx.add.f32.msk $0xffff, v10  }
0xb4: {  	[tilespmem:v23+s8+$0x0] =	vst.idx.add.f32.msk $0xffff, v2  }
0xb5: {  	[tilespmem:v23+s9+$0x0] =	vst.idx.add.f32.msk $0xffff, v1  }
0xb6: {  	[tilespmem:v25+s7+$0x0] =	vst.idx.add.f32.msk $0xffff, v11  }
0xb7: {  	[tilespmem:v25+s8+$0x0] =	vst.idx.add.f32.msk $0xffff, v9  }
0xb8: {  	[tilespmem:v25+s9+$0x0] =	vst.idx.add.f32.msk $0xffff, v1  }
0xb9: {  	[tilespmem:v27+s7+$0x0] =	vst.idx.add.f32.msk $0xffff, v5  }
0xba: {  	[tilespmem:v27+s8+$0x0] =	vst.idx.add.f32.msk $0xffff, v17  }
0xbb: {  	[tilespmem:v27+s9+$0x0] =	vst.idx.add.f32.msk $0xffff, v1  }
0xbc: {  	[tilespmem:v19+s7+$0x0] =	vst.idx.add.f32.msk $0xffff, v12  }
0xbd: {  	[tilespmem:v19+s8+$0x0] =	vst.idx.add.f32.msk $0xffff, v20  }
0xbe: {  	[tilespmem:v19+s9+$0x0] =	vst.idx.add.f32.msk $0xffff, v1  }
0xbf: {  	[tilespmem:v29+s7+$0x0] =	vst.idx.add.f32.msk $0xffff, v14  }
0xc0: {  	[tilespmem:v29+s8+$0x0] =	vst.idx.add.f32.msk $0xffff, v22  }
0xc1: {  	[tilespmem:v29+s9+$0x0] =	vst.idx.add.f32.msk $0xffff, v1  }
0xc2: {  	[tilespmem:v3+s7+$0x0] =	vst.idx.add.f32.msk $0xffff, v15  }
0xc3: {  	[tilespmem:v3+s8+$0x0] =	vst.idx.add.f32.msk $0xffff, v24  }
0xc4: {  	[tilespmem:v3+s9+$0x0] =	vst.idx.add.f32.msk $0xffff, v1  }
0xc5: {  	[tilespmem:v7+s7+$0x0] =	vst.idx.add.f32.msk $0xffff, v16  }
.Ltmp0:
0xc6: {  	[tilespmem:v7+s8+$0x0] =	vst.idx.add.f32.msk $0xffff, v26;
	(pc) =	sbr.rel @p1 .LBB2_1-.Ltmp0, $4  }
0xc7: {  	[tilespmem:v7+s9+$0x0] =	vst.idx.add.f32.msk $0xffff, v1  }
0xc8: {  	[tilespmem:v13+s7+$0x0] =	vst.idx.add.f32.msk $0xffff, v18  }
0xc9: {  	[tilespmem:v13+s8+$0x0] =	vst.idx.add.f32.msk $0xffff, v28  }
0xca: {  	s11 =	sadd.s32 $0xD0, s11;
	[tilespmem:v13+s9+$0x0] =	vst.idx.add.f32.msk $0xffff, v1  }
0xcb: {  	s5 =	simm.s32 $0x2  }
0xcc: {  	_ =	swait.ge [sflag:s5], $0xC30  }
0xcd: {  	[sflag:s5] =	ssyncset.done $0x0  }
0xce: {  	[sflag:s5] =	ssyncadd.s32 $0xFFFFF3D0  }
0xcf: {  	_ =	swait.ge [sflag:s5], $0xC30  }
0xd0: {  	[sflag:s5] =	ssyncset.done $0x0  }
0xd1: {  	s10 =	simm.s32 $0x2570;
	[sflag:s5] =	ssyncadd.s32 $0xFFFFF3D0  }
0xd2: {  	v1 =	vld [tilespmem:s10+$0x0]  }
0xd3: {  	v2 =	vld [tilespmem:s10+$0xFFFFFF40]  }
0xd4: {  	s6 =	simm.s32 $0xCF0;
	v3 =	vld [tilespmem:s10+$0xFFFFFF50]  }
0xd5: {  	v5 =	vld [tilespmem:s6+$0x0]  }
0xd6: {  	v6 =	vld [tilespmem:s6+$0xFFFFFF50]  }
0xd7: {  	v8 =	vld [tilespmem:s6+$0xFFFFFF60]  }
0xd8: {  	v10 =	vld [tilespmem:s6+$0xFFFFFF70]  }
0xd9: {  	v11 =	vld [tilespmem:s6+$0xFFFFFF80]  }
0xda: {  	v46 =	vld [tilespmem:s6+$0xFFFFFF90]  }
0xdb: {  	v47 =	vld [tilespmem:s6+$0xFFFFFFA0]  }
0xdc: {  	v48 =	vld [tilespmem:s6+$0xFFFFFFB0]  }
0xdd: {  	v49 =	vld [tilespmem:s6+$0xFFFFFFD0]  }
0xde: {  	v50 =	vld [tilespmem:s6+$0xFFFFFFE0]  }
0xdf: {  	v13 =	vld [tilespmem:s6+$0xFFFFFFF0]  }
0xe0: {  	v14 =	vld [tilespmem:s6+$0xFFFFFF40]  }
0xe1: {  	v15 =	vld [tilespmem:s10+$0xFFFFFF60]  }
0xe2: {  	v16 =	vld [tilespmem:s10+$0xFFFFFF70]  }
0xe3: {  	v17 =	vld [tilespmem:s10+$0xFFFFFF80]  }
0xe4: {  	v0 =	vlaneseq.u32;
	v18 =	vld [tilespmem:s10+$0xFFFFFF90]  }
0xe5: {  	v0 =	vmul.u32 $0x10, v0;
	v19 =	vld [tilespmem:s10+$0xFFFFFFA0]  }
0xe6: {  	v20 =	vld [tilespmem:s10+$0xFFFFFFB0]  }
0xe7: {  	s5 =	simm.s32 $0xC30;
	v21 =	vld [tilespmem:s10+$0xFFFFFFD0];
	v7 =	vadd.s32 v0, v1  }
0xe8: {  	s7 =	sand.u32 $0x1FF0, s5;
	v22 =	vld [tilespmem:s10+$0xFFFFFFE0];
	v2 =	vadd.s32 v0, v2  }
0xe9: {  	v4 =	vld [tilespmem:s7+$0x1900];
	v3 =	vadd.s32 v0, v3  }
0xea: {  	v24 =	vld [tilespmem:s10+$0xFFFFFFF0];
	v51 =	vadd.s32 v0, v15  }
0xeb: {  	v9 =	vld [tilespmem:s7+$0x80];
	s7 =	simm.s32 $0x3200;
	v55 =	vadd.s32 v0, v18  }
0xec: {  	v59 =	vadd.s32 v0, v21;
	[tilespmem:v7+s7+$0x0] =	vst.idx.add.f32.msk $0xffff, v5  }
0xed: {  	[tilespmem:v2+s7+$0x0] =	vst.idx.add.f32.msk $0xffff, v14  }
0xee: {  	v4 =	vadd.s32 v0, v4;
	[tilespmem:v3+s7+$0x0] =	vst.idx.add.f32.msk $0xffff, v6  }
0xef: {  	[tilespmem:v51+s7+$0x0] =	vst.idx.add.f32.msk $0xffff, v8  }
0xf0: {  	v12 =	vmul.f32 v5, v5;
	[tilespmem:v55+s7+$0x0] =	vst.idx.add.f32.msk $0xffff, v46  }
0xf1: {  	s8 =	simm.s32 $0x3300;
	[tilespmem:v59+s7+$0x0] =	vst.idx.add.f32.msk $0xffff, v49  }
0xf2: {  	v23 =	vmul.f32 v14, v14;
	[tilespmem:v7+s8+$0x0] =	vst.idx.add.f32.msk $0xffff, v12  }
0xf3: {  	v52 =	vmul.f32 v6, v6;
	[tilespmem:v4+s7+$0x0] =	vst.idx.add.f32.msk $0xffff, v9  }
0xf4: {  	[tilespmem:v2+s8+$0x0] =	vst.idx.add.f32.msk $0xffff, v23  }
0xf5: {  	s9 =	simm.s32 $0x3400;
	v1 =	vimm.f32 $1.000000000e+00;
	[tilespmem:v3+s8+$0x0] =	vst.idx.add.f32.msk $0xffff, v52  }
0xf6: {  	v53 =	vmul.f32 v8, v8;
	[tilespmem:v2+s9+$0x0] =	vst.idx.add.f32.msk $0xffff, v1;
	v2 =	vadd.s32 v0, v16  }
0xf7: {  	v57 =	vmul.f32 v46, v46;
	[tilespmem:v3+s9+$0x0] =	vst.idx.add.f32.msk $0xffff, v1;
	v3 =	vadd.s32 v0, v17  }
0xf8: {  	v61 =	vmul.f32 v49, v49;
	[tilespmem:v51+s8+$0x0] =	vst.idx.add.f32.msk $0xffff, v53  }
0xf9: {  	[tilespmem:v55+s8+$0x0] =	vst.idx.add.f32.msk $0xffff, v57  }
0xfa: {  	[tilespmem:v59+s8+$0x0] =	vst.idx.add.f32.msk $0xffff, v61  }
0xfb: {  	v54 =	vmul.f32 v10, v10;
	[tilespmem:v2+s7+$0x0] =	vst.idx.add.f32.msk $0xffff, v10  }
0xfc: {  	v56 =	vmul.f32 v11, v11;
	[tilespmem:v3+s7+$0x0] =	vst.idx.add.f32.msk $0xffff, v11  }
0xfd: {  	[tilespmem:v2+s8+$0x0] =	vst.idx.add.f32.msk $0xffff, v54  }
0xfe: {  	[tilespmem:v3+s8+$0x0] =	vst.idx.add.f32.msk $0xffff, v56  }
0xff: {  	[tilespmem:v2+s9+$0x0] =	vst.idx.add.f32.msk $0xffff, v1;
	v2 =	vadd.s32 v0, v19  }
0x100: {  	v45 =	vmul.f32 v9, v9;
	[tilespmem:v3+s9+$0x0] =	vst.idx.add.f32.msk $0xffff, v1;
	v3 =	vadd.s32 v0, v20  }
0x101: {  	[tilespmem:v7+s9+$0x0] =	vst.idx.add.f32.msk $0xffff, v1  }
0x102: {  	[tilespmem:v4+s8+$0x0] =	vst.idx.add.f32.msk $0xffff, v45  }
0x103: {  	[tilespmem:v51+s9+$0x0] =	vst.idx.add.f32.msk $0xffff, v1  }
0x104: {  	v58 =	vmul.f32 v47, v47;
	[tilespmem:v2+s7+$0x0] =	vst.idx.add.f32.msk $0xffff, v47  }
0x105: {  	v60 =	vmul.f32 v48, v48;
	[tilespmem:v3+s7+$0x0] =	vst.idx.add.f32.msk $0xffff, v48  }
0x106: {  	[tilespmem:v2+s8+$0x0] =	vst.idx.add.f32.msk $0xffff, v58  }
0x107: {  	[tilespmem:v3+s8+$0x0] =	vst.idx.add.f32.msk $0xffff, v60  }
0x108: {  	[tilespmem:v2+s9+$0x0] =	vst.idx.add.f32.msk $0xffff, v1;
	v2 =	vadd.s32 v0, v22  }
0x109: {  	[tilespmem:v3+s9+$0x0] =	vst.idx.add.f32.msk $0xffff, v1;
	v3 =	vadd.s32 v0, v24  }
0x10a: {  	[tilespmem:v55+s9+$0x0] =	vst.idx.add.f32.msk $0xffff, v1  }
0x10b: {  	[tilespmem:v59+s9+$0x0] =	vst.idx.add.f32.msk $0xffff, v1  }
0x10c: {  	[tilespmem:v4+s9+$0x0] =	vst.idx.add.f32.msk $0xffff, v1  }
0x10d: {  	v62 =	vmul.f32 v50, v50;
	[tilespmem:v2+s7+$0x0] =	vst.idx.add.f32.msk $0xffff, v50  }
0x10e: {  	v63 =	vmul.f32 v13, v13;
	[tilespmem:v3+s7+$0x0] =	vst.idx.add.f32.msk $0xffff, v13  }
0x10f: {  	[tilespmem:v2+s8+$0x0] =	vst.idx.add.f32.msk $0xffff, v62  }
0x110: {  	[tilespmem:v3+s8+$0x0] =	vst.idx.add.f32.msk $0xffff, v63  }
0x111: {  	[tilespmem:v2+s9+$0x0] =	vst.idx.add.f32.msk $0xffff, v1  }
0x112: {  	s11 =	simm.s32 $0x2640;
	s10 =	simm.s32 $0xC3;
	[tilespmem:v3+s9+$0x0] =	vst.idx.add.f32.msk $0xffff, v1  }
.LBB2_3:
0x113: {  	v2 =	vld [tilespmem:s11+$0x0]  }
0x114: {  	s5 =	sadd.s32 $0xD0, s5;
	v3 =	vld [tilespmem:s11+$0xFFFFFF40]  }
0x115: {  	s12 =	sand.u32 $0x1FF0, s5;
	v4 =	vld [tilespmem:s11+$0xFFFFFF50]  }
0x116: {  	s6 =	sadd.s32 $0xD0, s6;
	v5 =	vld [tilespmem:s12+$0x1900]  }
0x117: {  	s10 =	sadd.s32 $0xD, s10;
	v6 =	vld [tilespmem:s6+$0x0]  }
0x118: {  	p1 =	slt.u32 s10, $0x179;
	v7 =	vld [tilespmem:s6+$0xFFFFFF50];
	v2 =	vadd.s32 v0, v2  }
0x119: {  	v3 =	vadd.s32 v0, v3;
	v8 =	vld [tilespmem:s6+$0xFFFFFF60]  }
0x11a: {  	v4 =	vadd.s32 v0, v4;
	v9 =	vld [tilespmem:s12+$0x80]  }
0x11b: {  	v10 =	vld [tilespmem:s6+$0xFFFFFF70];
	v5 =	vadd.s32 v0, v5  }
0x11c: {  	v11 =	vld [tilespmem:s6+$0xFFFFFF80];
	v12 =	vmul.f32 v6, v6  }
0x11d: {  	v13 =	vmul.f32 v7, v7;
	[tilespmem:v2+s7+$0x0] =	vst.idx.add.f32.msk $0xffff, v6  }
0x11e: {  	v6 =	vmul.f32 v8, v8;
	[tilespmem:v2+s8+$0x0] =	vst.idx.add.f32.msk $0xffff, v12  }
0x11f: {  	v12 =	vmul.f32 v9, v9;
	[tilespmem:v2+s9+$0x0] =	vst.idx.add.f32.msk $0xffff, v1  }
0x120: {  	v2 =	vmul.f32 v10, v10;
	[tilespmem:v5+s7+$0x0] =	vst.idx.add.f32.msk $0xffff, v9  }
0x121: {  	v9 =	vmul.f32 v11, v11;
	[tilespmem:v5+s8+$0x0] =	vst.idx.add.f32.msk $0xffff, v12  }
0x122: {  	[tilespmem:v5+s9+$0x0] =	vst.idx.add.f32.msk $0xffff, v1  }
0x123: {  	v5 =	vld [tilespmem:s6+$0xFFFFFF90]  }
0x124: {  	v12 =	vld [tilespmem:s6+$0xFFFFFFA0]  }
0x125: {  	v14 =	vld [tilespmem:s6+$0xFFFFFFB0]  }
0x126: {  	v15 =	vld [tilespmem:s6+$0xFFFFFFD0]  }
0x127: {  	v16 =	vld [tilespmem:s6+$0xFFFFFFE0]  }
0x128: {  	v17 =	vmul.f32 v5, v5;
	v18 =	vld [tilespmem:s6+$0xFFFFFFF0]  }
0x129: {  	v19 =	vld [tilespmem:s6+$0xFFFFFF40];
	v20 =	vmul.f32 v12, v12  }
0x12a: {  	v21 =	vld [tilespmem:s11+$0xFFFFFF60];
	v22 =	vmul.f32 v14, v14  }
0x12b: {  	v23 =	vld [tilespmem:s11+$0xFFFFFF70];
	v24 =	vmul.f32 v15, v15  }
0x12c: {  	v25 =	vld [tilespmem:s11+$0xFFFFFF80];
	v26 =	vmul.f32 v16, v16  }
0x12d: {  	v27 =	vld [tilespmem:s11+$0xFFFFFF90];
	v28 =	vmul.f32 v18, v18  }
0x12e: {  	v29 =	vmul.f32 v19, v19;
	v30 =	vld [tilespmem:s11+$0xFFFFFFA0]  }
0x12f: {  	v21 =	vadd.s32 v0, v21;
	v31 =	vld [tilespmem:s11+$0xFFFFFFB0]  }
0x130: {  	v23 =	vadd.s32 v0, v23;
	v32 =	vld [tilespmem:s11+$0xFFFFFFD0]  }
0x131: {  	v25 =	vadd.s32 v0, v25;
	v33 =	vld [tilespmem:s11+$0xFFFFFFE0]  }
0x132: {  	v27 =	vadd.s32 v0, v27;
	v34 =	vld [tilespmem:s11+$0xFFFFFFF0]  }
0x133: {  	[tilespmem:v3+s7+$0x0] =	vst.idx.add.f32.msk $0xffff, v19;
	v19 =	vadd.s32 v0, v30  }
0x134: {  	[tilespmem:v3+s8+$0x0] =	vst.idx.add.f32.msk $0xffff, v29;
	v29 =	vadd.s32 v0, v31  }
0x135: {  	[tilespmem:v3+s9+$0x0] =	vst.idx.add.f32.msk $0xffff, v1;
	v3 =	vadd.s32 v0, v32  }
0x136: {  	[tilespmem:v4+s7+$0x0] =	vst.idx.add.f32.msk $0xffff, v7;
	v7 =	vadd.s32 v0, v33  }
0x137: {  	[tilespmem:v4+s8+$0x0] =	vst.idx.add.f32.msk $0xffff, v13;
	v13 =	vadd.s32 v0, v34  }
0x138: {  	[tilespmem:v4+s9+$0x0] =	vst.idx.add.f32.msk $0xffff, v1  }
0x139: {  	[tilespmem:v21+s7+$0x0] =	vst.idx.add.f32.msk $0xffff, v8  }
0x13a: {  	[tilespmem:v21+s8+$0x0] =	vst.idx.add.f32.msk $0xffff, v6  }
0x13b: {  	[tilespmem:v21+s9+$0x0] =	vst.idx.add.f32.msk $0xffff, v1  }
0x13c: {  	[tilespmem:v23+s7+$0x0] =	vst.idx.add.f32.msk $0xffff, v10  }
0x13d: {  	[tilespmem:v23+s8+$0x0] =	vst.idx.add.f32.msk $0xffff, v2  }
0x13e: {  	[tilespmem:v23+s9+$0x0] =	vst.idx.add.f32.msk $0xffff, v1  }
0x13f: {  	[tilespmem:v25+s7+$0x0] =	vst.idx.add.f32.msk $0xffff, v11  }
0x140: {  	[tilespmem:v25+s8+$0x0] =	vst.idx.add.f32.msk $0xffff, v9  }
0x141: {  	[tilespmem:v25+s9+$0x0] =	vst.idx.add.f32.msk $0xffff, v1  }
0x142: {  	[tilespmem:v27+s7+$0x0] =	vst.idx.add.f32.msk $0xffff, v5  }
0x143: {  	[tilespmem:v27+s8+$0x0] =	vst.idx.add.f32.msk $0xffff, v17  }
0x144: {  	[tilespmem:v27+s9+$0x0] =	vst.idx.add.f32.msk $0xffff, v1  }
0x145: {  	[tilespmem:v19+s7+$0x0] =	vst.idx.add.f32.msk $0xffff, v12  }
0x146: {  	[tilespmem:v19+s8+$0x0] =	vst.idx.add.f32.msk $0xffff, v20  }
0x147: {  	[tilespmem:v19+s9+$0x0] =	vst.idx.add.f32.msk $0xffff, v1  }
0x148: {  	[tilespmem:v29+s7+$0x0] =	vst.idx.add.f32.msk $0xffff, v14  }
0x149: {  	[tilespmem:v29+s8+$0x0] =	vst.idx.add.f32.msk $0xffff, v22  }
0x14a: {  	[tilespmem:v29+s9+$0x0] =	vst.idx.add.f32.msk $0xffff, v1  }
0x14b: {  	[tilespmem:v3+s7+$0x0] =	vst.idx.add.f32.msk $0xffff, v15  }
0x14c: {  	[tilespmem:v3+s8+$0x0] =	vst.idx.add.f32.msk $0xffff, v24  }
0x14d: {  	[tilespmem:v3+s9+$0x0] =	vst.idx.add.f32.msk $0xffff, v1  }
0x14e: {  	[tilespmem:v7+s7+$0x0] =	vst.idx.add.f32.msk $0xffff, v16  }
.Ltmp1:
0x14f: {  	[tilespmem:v7+s8+$0x0] =	vst.idx.add.f32.msk $0xffff, v26;
	(pc) =	sbr.rel @p1 .LBB2_3-.Ltmp1, $4  }
0x150: {  	[tilespmem:v7+s9+$0x0] =	vst.idx.add.f32.msk $0xffff, v1  }
0x151: {  	[tilespmem:v13+s7+$0x0] =	vst.idx.add.f32.msk $0xffff, v18  }
0x152: {  	[tilespmem:v13+s8+$0x0] =	vst.idx.add.f32.msk $0xffff, v28  }
0x153: {  	s11 =	sadd.s32 $0xD0, s11;
	[tilespmem:v13+s9+$0x0] =	vst.idx.add.f32.msk $0xffff, v1  }
0x154: {  	s5 =	simm.s32 @!p0 $0x3  }
0x155: {  	_ =	swait.ge @!p0 [sflag:s5], $0x10  }
0x156: {  	[sflag:s5] =	ssyncset.done @!p0 $0x0  }
0x157: {  	[sflag:s5] =	ssyncadd.s32 @!p0 $0xFFFFFFF0  }
0x158: {  	_ =	swait.ge @!p0 [sflag:s5], $0x10  }
0x159: {  	[sflag:s5] =	ssyncset.done @!p0 $0x0  }
0x15a: {  	[sflag:s5] =	ssyncadd.s32 @!p0 $0xFFFFFFF0  }
0x15b: {  	v0 =	vld @!p0 [tilespmem:$0x3180];
	_ =	sdelay $0x1  }
0x15c: {  	v1 =	vlaneseq.u32 @!p0  }
0x15d: {  	v1 =	vmul.u32 @!p0 $0x10, v1  }
0x15e: {  	v2 =	vld @!p0 [tilespmem:$0x3100]  }
0x15f: {  	v0 =	vadd.s32 @!p0 v1, v0;
	_ =	sdelay $0x3  }
0x160: {  	s5 =	simm.s32 @!p0 $0x3200;
	v1 =	vmul.f32 @!p0 v2, v2  }
0x161: {  	[tilespmem:v0+s5+$0x0] =	vst.idx.add.f32.msk @!p0 $0xffff, v2;
	s5 =	simm.s32 @!p0 $0x3300  }
0x162: {  	[tilespmem:v0+s5+$0x0] =	vst.idx.add.f32.msk @!p0 $0xffff, v1;
	v1 =	vimm.f32 @!p0 $1.000000000e+00;
	s5 =	simm.s32 @!p0 $0x3400  }
0x163: {  	[tilespmem:v0+s5+$0x0] =	vst.idx.add.f32.msk @!p0 $0xffff, v1  }
0x164: {  	v0 =	vld [tilespmem:$0x3200]  }
0x165: {  	v1 =	vld [tilespmem:$0x3300]  }
0x166: {  	v2 =	vld [tilespmem:$0x3400]  }
0x167: {  	v3 =	vld [tilespmem:$0x3210]  }
0x168: {  	v4 =	vld [tilespmem:$0x3310]  }
0x169: {  	v5 =	vld [tilespmem:$0x3410]  }
0x16a: {  	v6 =	vld [tilespmem:$0x3220]  }
0x16b: {  	v7 =	vld [tilespmem:$0x3320]  }
0x16c: {  	v8 =	vld [tilespmem:$0x3420]  }
0x16d: {  	v9 =	vld [tilespmem:$0x3230]  }
0x16e: {  	v10 =	vld [tilespmem:$0x3330]  }
0x16f: {  	v11 =	vld [tilespmem:$0x3430]  }
0x170: {  	v12 =	vld [tilespmem:$0x3240]  }
0x171: {  	v13 =	vld [tilespmem:$0x3340]  }
0x172: {  	v14 =	vld [tilespmem:$0x3440]  }
0x173: {  	v15 =	vld [tilespmem:$0x3250]  }
0x174: {  	v16 =	vld [tilespmem:$0x3350]  }
0x175: {  	v17 =	vld [tilespmem:$0x3450]  }
0x176: {  	v18 =	vld [tilespmem:$0x3260]  }
0x177: {  	v19 =	vld [tilespmem:$0x3360]  }
0x178: {  	v20 =	vld [tilespmem:$0x3460];
	v0 =	vadd.f32 $0.0e+00, v0  }
0x179: {  	v21 =	vld [tilespmem:$0x3270];
	v1 =	vadd.f32 $0.0e+00, v1  }
0x17a: {  	v38 =	vld [tilespmem:$0x3370];
	v2 =	vadd.f32 $0.0e+00, v2;
	v0 =	vadd.f32 v3, v0  }
0x17b: {  	v39 =	vld [tilespmem:$0x3470];
	v1 =	vadd.f32 v4, v1  }
0x17c: {  	v40 =	vld [tilespmem:$0x3280];
	v2 =	vadd.f32 v5, v2;
	v0 =	vadd.f32 v6, v0  }
0x17d: {  	v41 =	vld [tilespmem:$0x3380];
	v1 =	vadd.f32 v7, v1  }
0x17e: {  	v42 =	vld [tilespmem:$0x3480];
	v2 =	vadd.f32 v8, v2;
	v0 =	vadd.f32 v9, v0  }
0x17f: {  	v43 =	vld [tilespmem:$0x3290];
	v1 =	vadd.f32 v10, v1  }
0x180: {  	v44 =	vld [tilespmem:$0x3390];
	v2 =	vadd.f32 v11, v2;
	v0 =	vadd.f32 v12, v0  }
0x181: {  	v45 =	vld [tilespmem:$0x3490];
	v1 =	vadd.f32 v13, v1  }
0x182: {  	v46 =	vld [tilespmem:$0x32A0];
	v2 =	vadd.f32 v14, v2;
	v0 =	vadd.f32 v15, v0  }
0x183: {  	v47 =	vld [tilespmem:$0x33A0];
	v1 =	vadd.f32 v16, v1  }
0x184: {  	v48 =	vld [tilespmem:$0x34A0];
	v2 =	vadd.f32 v17, v2;
	v0 =	vadd.f32 v18, v0  }
0x185: {  	v49 =	vld [tilespmem:$0x32B0];
	v1 =	vadd.f32 v19, v1  }
0x186: {  	v50 =	vld [tilespmem:$0x33B0];
	v2 =	vadd.f32 v20, v2;
	v0 =	vadd.f32 v21, v0  }
0x187: {  	v51 =	vld [tilespmem:$0x34B0];
	v1 =	vadd.f32 v38, v1  }
0x188: {  	v52 =	vld [tilespmem:$0x32C0];
	v2 =	vadd.f32 v39, v2;
	v0 =	vadd.f32 v40, v0  }
0x189: {  	v53 =	vld [tilespmem:$0x33C0];
	v1 =	vadd.f32 v41, v1  }
0x18a: {  	v54 =	vld [tilespmem:$0x34C0];
	v2 =	vadd.f32 v42, v2;
	v0 =	vadd.f32 v43, v0  }
0x18b: {  	v55 =	vld [tilespmem:$0x32D0];
	v1 =	vadd.f32 v44, v1  }
0x18c: {  	v56 =	vld [tilespmem:$0x33D0];
	v2 =	vadd.f32 v45, v2;
	v0 =	vadd.f32 v46, v0  }
0x18d: {  	v57 =	vld [tilespmem:$0x34D0];
	v1 =	vadd.f32 v47, v1  }
0x18e: {  	v58 =	vld [tilespmem:$0x32E0];
	v2 =	vadd.f32 v48, v2;
	v0 =	vadd.f32 v49, v0  }
0x18f: {  	v59 =	vld [tilespmem:$0x33E0];
	v1 =	vadd.f32 v50, v1  }
0x190: {  	v60 =	vld [tilespmem:$0x34E0];
	v2 =	vadd.f32 v51, v2;
	v0 =	vadd.f32 v52, v0  }
0x191: {  	v61 =	vld [tilespmem:$0x32F0];
	v1 =	vadd.f32 v53, v1  }
0x192: {  	v62 =	vld [tilespmem:$0x33F0];
	v2 =	vadd.f32 v54, v2;
	v0 =	vadd.f32 v55, v0  }
0x193: {  	v63 =	vld [tilespmem:$0x34F0];
	v1 =	vadd.f32 v56, v1  }
0x194: {  	v2 =	vadd.f32 v57, v2;
	v0 =	vadd.f32 v58, v0  }
0x195: {  	v1 =	vadd.f32 v59, v1  }
0x196: {  	v2 =	vadd.f32 v60, v2;
	v0 =	vadd.f32 v61, v0  }
0x197: {  	v1 =	vadd.f32 v62, v1  }
0x198: {  	v2 =	vadd.f32 v63, v2;
	[tilespmem:$0x3800] =	vst v0  }
0x199: {  	[tilespmem:$0x3810] =	vst v1  }
0x19a: {  	s31 =	simm.s32 $0x3800;
	[tilespmem:$0x3820] =	vst v2  }
0x19b: {  	[spmem:s4] =	stream.linear.scatter [tilespmem:s31], [sflag:$0x4], $0x30, $0x38;
	[tilespmem:$0x3930] =	vst v63  }
0x19c: {  	s4 =	simm.s32 $0x4  }
0x19d: {  	_ =	swait.ge [sflag:s4], $0x30  }
0x19e: {  	[sflag:s4] =	ssyncset.done $0x0  }
0x19f: {  	[sflag:s4] =	ssyncadd.s32 $0xFFFFFFD0  }
0x1a0: {  	p0 =	sne.s32 s3, $0x0;
	[bflag:$0x0] =	sbarrier.arrive $0xFFFF  }
0x1a1: {  	_ =	sfence.sel @p0 $0x180000  }
0x1a2: {  	[bflag:$0x0] =	sbarrier.arrive @p0 $0xFFFF  }
0x1a3: {  	_ =	strace @p0 $0x90000047  }
0x1a4: {  	[bflag:$0x2] =	sbarrier.arrive @p0 $0xFFFF  }
0x1a5: {  	_ =	shalt @p0  }
.LBB2_5:
0x1a6: {  	s3 =	simm.s32 $0x3500  }
0x1a7: {  	[tilespmem:s3], [sflag:$0x4] =	stream.linear.gather [spmem:s2], $0x300, $0x38;
	[tilespmem:$0x3930] =	vst v63  }
0x1a8: {  	_ =	swait.ge [sflag:s4], $0x300  }
0x1a9: {  	[sflag:s4] =	ssyncset.done $0x0  }
0x1aa: {  	[sflag:s4] =	ssyncadd.s32 $0xFFFFFD00  }
0x1ab: {  	v0 =	vld [tilespmem:$0x3500]  }
0x1ac: {  	v1 =	vld [tilespmem:$0x3510]  }
0x1ad: {  	v2 =	vld [tilespmem:$0x3520]  }
0x1ae: {  	v3 =	vld [tilespmem:$0x3530]  }
0x1af: {  	v4 =	vld [tilespmem:$0x3540]  }
0x1b0: {  	v5 =	vld [tilespmem:$0x3550]  }
0x1b1: {  	v6 =	vld [tilespmem:$0x3560]  }
0x1b2: {  	v7 =	vld [tilespmem:$0x3570]  }
0x1b3: {  	v8 =	vld [tilespmem:$0x3580]  }
0x1b4: {  	v9 =	vld [tilespmem:$0x3590];
	v2 =	vadd.f32 $0.0e+00, v2  }
0x1b5: {  	v10 =	vld [tilespmem:$0x35B0]  }
0x1b6: {  	v11 =	vld [tilespmem:$0x35E0];
	v2 =	vadd.f32 v5, v2  }
0x1b7: {  	v12 =	vld [tilespmem:$0x3610]  }
0x1b8: {  	v13 =	vld [tilespmem:$0x3640];
	v2 =	vadd.f32 v8, v2  }
0x1b9: {  	v14 =	vld [tilespmem:$0x3670]  }
0x1ba: {  	v15 =	vld [tilespmem:$0x3600];
	v0 =	vadd.f32 $0.0e+00, v0;
	v2 =	vadd.f32 v10, v2  }
0x1bb: {  	v1 =	vadd.f32 $0.0e+00, v1;
	v5 =	vld [tilespmem:$0x35A0]  }
0x1bc: {  	v0 =	vadd.f32 v3, v0;
	v3 =	vld [tilespmem:$0x3620];
	v2 =	vadd.f32 v11, v2  }
0x1bd: {  	v1 =	vadd.f32 v4, v1;
	v4 =	vld [tilespmem:$0x3730]  }
0x1be: {  	v8 =	vld [tilespmem:$0x35C0];
	v2 =	vadd.f32 v12, v2  }
0x1bf: {  	v12 =	vld [tilespmem:$0x36A0]  }
0x1c0: {  	v0 =	vadd.f32 v6, v0;
	v6 =	vld [tilespmem:$0x3630];
	v2 =	vadd.f32 v13, v2  }
0x1c1: {  	v13 =	vld [tilespmem:$0x36D0]  }
0x1c2: {  	v11 =	vld [tilespmem:$0x35F0];
	v2 =	vadd.f32 v14, v2  }
0x1c3: {  	v1 =	vadd.f32 v7, v1;
	v14 =	vld [tilespmem:$0x3700]  }
0x1c4: {  	v7 =	vld [tilespmem:$0x3760];
	v0 =	vadd.f32 v9, v0;
	v2 =	vadd.f32 v12, v2  }
0x1c5: {  	v10 =	vld [tilespmem:$0x35D0]  }
0x1c6: {  	v9 =	vld [tilespmem:$0x3650];
	v0 =	vadd.f32 v8, v0;
	v2 =	vadd.f32 v13, v2  }
0x1c7: {  	v1 =	vadd.f32 v5, v1;
	v5 =	vld [tilespmem:$0x3790]  }
0x1c8: {  	v8 =	vld [tilespmem:$0x3660];
	v0 =	vadd.f32 v11, v0;
	v2 =	vadd.f32 v14, v2  }
0x1c9: {  	v11 =	vld [tilespmem:$0x3680]  }
0x1ca: {  	v0 =	vadd.f32 v3, v0;
	v3 =	vld [tilespmem:$0x36B0];
	v2 =	vadd.f32 v4, v2  }
0x1cb: {  	v1 =	vadd.f32 v10, v1;
	v4 =	vld [tilespmem:$0x37C0]  }
0x1cc: {  	v0 =	vadd.f32 v9, v0;
	v9 =	vld [tilespmem:$0x36E0];
	v2 =	vadd.f32 v7, v2  }
0x1cd: {  	v1 =	vadd.f32 v15, v1;
	v7 =	vld [tilespmem:$0x37F0]  }
0x1ce: {  	v10 =	vld [tilespmem:$0x3690];
	v0 =	vadd.f32 v11, v0;
	v2 =	vadd.f32 v5, v2  }
0x1cf: {  	v1 =	vadd.f32 v6, v1;
	v5 =	vld [tilespmem:$0x3710]  }
0x1d0: {  	v0 =	vadd.f32 v3, v0;
	v3 =	vld [tilespmem:$0x36C0];
	v2 =	vadd.f32 v4, v2  }
0x1d1: {  	v1 =	vadd.f32 v8, v1;
	v4 =	vld [tilespmem:$0x3740]  }
0x1d2: {  	v8 =	vld [tilespmem:$0x36F0];
	v6 =	vadd.f32 v9, v0;
	v0 =	vadd.f32 v7, v2  }
0x1d3: {  	v1 =	vadd.f32 v10, v1;
	v2 =	vld [tilespmem:$0x3770]  }
0x1d4: {  	v5 =	vadd.f32 v5, v6;
	v6 =	vld [tilespmem:$0x3720];
	(erf) = vrcp.f32 v0  }
0x1d5: {  	v1 =	vadd.f32 v3, v1;
	v3 =	vld [tilespmem:$0x37A0]  }
0x1d6: {  	v4 =	vadd.f32 v4, v5;
	v5 =	vld [tilespmem:$0x3750]  }
0x1d7: {  	v1 =	vadd.f32 v8, v1;
	v7 =	vld [tilespmem:$0x37D0]  }
0x1d8: {  	v2 =	vadd.f32 v2, v4  }
0x1d9: {  	v4 =	vld [tilespmem:$0x3780];
	v1 =	vadd.f32 v6, v1  }
0x1da: {  	v2 =	vadd.f32 v3, v2  }
0x1db: {  	v3 =	vld [tilespmem:$0x37B0];
	v1 =	vadd.f32 v5, v1  }
0x1dc: {  	v5 =	vadd.f32 $-1.000000000e+00, v0;
	v2 =	vadd.f32 v7, v2  }
0x1dd: {  	v6 =	vld [tilespmem:$0x37E0];
	v7 =	vpop (erf)  }
0x1de: {  	v1 =	vadd.f32 v4, v1;
	(erf) = vrcp.f32 v5;
	v2 =	vmul.f32 v7, v2;
	_ =	sdelay $0x1  }
0x1df: {  	v1 =	vadd.f32 v3, v1;
	v3 =	vmul.f32 v2, v0;
	_ =	sdelay $0x1  }
0x1e0: {  	v1 =	vadd.f32 v6, v1;
	v3 =	vmul.f32 v3, v2;
	_ =	sdelay $0x1  }
0x1e1: {  	v1 =	vsub.f32 v1, v3;
	_ =	sdelay $0x1  }
0x1e2: {  	vm0 =	vlt.f32 v1, $0.0e+00  }
0x1e3: {  	v3 =	vpop (erf);
	v1 =	vsel vm0, $0x0, v1  }
0x1e4: {  	v1 =	vmul.f32 v1, v3;
	_ =	sdelay $0x1  }
0x1e5: {  	v3 =	vshrl.u32 v1, $0x1;
	v4 =	vmul.f32 $5.000000000e-01, v1  }
0x1e6: {  	v3 =	vsub.s32 $0x5F3759DF, v3  }
0x1e7: {  	v5 =	vmul.f32 v3, v4;
	_ =	sdelay $0x1  }
0x1e8: {  	v5 =	vmul.f32 v3, v5;
	_ =	sdelay $0x1  }
0x1e9: {  	v5 =	vsub.f32 $1.500000000e+00, v5;
	_ =	sdelay $0x1  }
0x1ea: {  	v3 =	vmul.f32 v3, v5;
	_ =	sdelay $0x1  }
0x1eb: {  	v5 =	vmul.f32 v3, v4;
	_ =	sdelay $0x1  }
0x1ec: {  	v5 =	vmul.f32 v5, v3;
	_ =	sdelay $0x1  }
0x1ed: {  	s23 =	simm.s32 $0x0;
	v5 =	vsub.f32 $1.500000000e+00, v5  }
0x1ee: {  	v6 =	vmov s23  }
0x1ef: {  	s24 =	simm.s32 $0x1;
	s25 =	simm.s32 $0x2;
	s26 =	simm.s32 $0x3;
	v3 =	vmul.f32 v5, v3;
	v5 =	vperm.xlane v2, v6  }
0x1f0: {  	v10 =	vmov s25;
	v11 =	vmov s26;
	v9 =	vmov s24  }
0x1f1: {  	v22 =	vperm.xlane v0, v11;
	v7 =	vperm.xlane v2, v9;
	v8 =	vsub.f32 v2, v5  }
0x1f2: {  	v23 =	vperm.xlane v0, v9;
	v5 =	vperm.xlane v2, v10  }
0x1f3: {  	v12 =	vsub.f32 v2, v7;
	v7 =	vperm.xlane v2, v11;
	v13 =	vand.u32 $0x7FFFFFFF, v8  }
0x1f4: {  	v4 =	vmul.f32 v3, v4;
	v14 =	vsub.f32 v2, v5;
	(erf) = vrcp.f32 v13  }
0x1f5: {  	v24 =	vperm.xlane v0, v10;
	v15 =	vand.u32 $0x7FFFFFFF, v12;
	v16 =	vsub.f32 v2, v7  }
0x1f6: {  	v4 =	vmul.f32 v4, v3;
	v17 =	vand.u32 $0x7FFFFFFF, v14;
	(erf) = vrcp.f32 v15  }
0x1f7: {  	v20 =	vperm.xlane v0, v6;
	(erf) = vrcp.f32 v17  }
0x1f8: {  	vm5 =	vgt.f32 v22, $0.0e+00;
	v18 =	vand.u32 $0x7FFFFFFF, v16;
	v4 =	vsub.f32 $1.500000000e+00, v4  }
0x1f9: {  	s30 =	simm.s32 $0x6;
	vm7 =	vgt.f32 v23, $0.0e+00;
	vm4 =	vgt.f32 v20, $0.0e+00;
	(erf) = vrcp.f32 v18  }
0x1fa: {  	v7 =	vmov s30;
	vm0 =	vgt.f32 v0, $0.0e+00;
	v3 =	vmul.f32 v4, v3  }
0x1fb: {  	s28 =	simm.s32 $0x4;
	vm8 =	vgt.f32 v24, $0.0e+00;
	v29 =	vperm.xlane v2, v7;
	vm4 =	vmand vm4, vm0  }
0x1fc: {  	vm8 =	vmand vm8, vm0;
	v5 =	vmov s28;
	v4 =	vmul.f32 v3, v1  }
0x1fd: {  	vm9 =	vmand vm5, vm0;
	vm5 =	vmand vm7, vm0;
	v21 =	vperm.xlane v2, v5;
	v27 =	vpop (erf)  }
0x1fe: {  	v3 =	vlaneseq.u32;
	v19 =	vperm.xlane v4, v6;
	v27 =	vmul.f32 v27, v8  }
0x1ff: {  	vm6 =	vlt.u32 v11, v3;
	v26 =	vperm.xlane v4, v11;
	v28 =	vperm.xlane v4, v9;
	v11 =	vpop (erf)  }
0x200: {  	v1 =	vimm.f32 $0.0e+00;
	v11 =	vmul.f32 v11, v12;
	v12 =	vpop (erf);
	v19 =	vmul.f32 v27, v19  }
0x201: {  	vm1 =	vlt.u32 v9, v3;
	v25 =	vperm.xlane v4, v10;
	v12 =	vmul.f32 v12, v14  }
0x202: {  	v14 =	vmul.f32 v27, v4;
	v62 =	vpop (erf);
	v31 =	vand.u32 $0x7FFFFFFF, v19;
	v19 =	vmul.f32 v11, v28  }
0x203: {  	v63 =	vmul.f32 v11, v4;
	v27 =	vmul.f32 v62, v16;
	v13 =	vadd.f32 v31, v13  }
0x204: {  	v32 =	vand.u32 $0x7FFFFFFF, v14;
	v14 =	vmul.f32 v12, v25;
	v11 =	vand.u32 $0x7FFFFFFF, v19  }
0x205: {  	v12 =	vmul.f32 v12, v4;
	v16 =	vadd.f32 v13, v32;
	v19 =	vadd.f32 v11, v15  }
0x206: {  	v15 =	vand.u32 $0x7FFFFFFF, v63;
	v13 =	vand.u32 $0x7FFFFFFF, v14;
	v14 =	vmul.f32 v27, v26  }
0x207: {  	v17 =	vadd.f32 v13, v17;
	v19 =	vadd.f32 v19, v15;
	(erf) = vrcp.f32 v16  }
0x208: {  	v16 =	vand.u32 $0x7FFFFFFF, v12;
	v12 =	vand.u32 $0x7FFFFFFF, v14;
	v14 =	vmul.f32 v27, v4  }
0x209: {  	v9 =	vadd.f32 v17, v16;
	v18 =	vadd.f32 v12, v18;
	(erf) = vrcp.f32 v19  }
0x20a: {  	s29 =	simm.s32 $0x7;
	vm2 =	vlt.u32 v6, v3;
	vm3 =	vlt.u32 v10, v3;
	v17 =	vand.u32 $0x7FFFFFFF, v14  }
0x20b: {  	s31 =	simm.s32 $0x5;
	v6 =	vmov s29;
	v20 =	vadd.f32 v18, v17;
	(erf) = vrcp.f32 v9  }
0x20c: {  	vm4 =	vmand vm4, vm2;
	v30 =	vperm.xlane v2, v6;
	v8 =	vmov s31  }
0x20d: {  	vm3 =	vmand vm8, vm3;
	v10 =	vperm.xlane v2, v8;
	(erf) = vrcp.f32 v20  }
0x20e: {  	vm2 =	vmand vm9, vm6;
	v22 =	vadd.f32 v32, v31;
	v19 =	vsub.f32 v2, v21  }
0x20f: {  	v14 =	vsub.f32 v2, v30;
	v21 =	vsub.f32 v2, v10;
	v10 =	vimm.f32 $0.0e+00  }
0x210: {  	s2 =	simm.s32 $0x8;
	v18 =	vsub.f32 v2, v29;
	v9 =	vimm.f32 $0.0e+00;
	v20 =	vand.u32 $0x7FFFFFFF, v19;
	v23 =	vpop (erf)  }
.LBB2_6:
0x211: {  	p0 =	sne.s32 s2, $0xC;
	v27 =	vmul.f32 v23, v22;
	v11 =	vadd.f32 v15, v11;
	vm1 =	vmand vm5, vm1  }
0x212: {  	v15 =	vand.u32 $0x7FFFFFFF, v21;
	v23 =	vand.u32 $0x7FFFFFFF, v18;
	v24 =	vsel vm4, $0x3F800000, v1;
	v25 =	vpop (erf)  }
0x213: {  	v13 =	vadd.f32 v16, v13;
	v26 =	vnsel vm4, $0x0, v27;
	v25 =	vmul.f32 v25, v11  }
0x214: {  	v9 =	vadd.f32 v24, v9;
	v16 =	vsel vm1, $0x3F800000, v1;
	v10 =	vadd.f32 v26, v10;
	v22 =	vpop (erf)  }
0x215: {  	v12 =	vadd.f32 v17, v12;
	v24 =	vnsel vm1, $0x0, v25;
	v13 =	vmul.f32 v22, v13  }
0x216: {  	v9 =	vadd.f32 v16, v9;
	(erf) = vrcp.f32 v20;
	v10 =	vadd.f32 v24, v10;
	v11 =	vpop (erf)  }
0x217: {  	v16 =	vsel vm3, $0x3F800000, v1;
	v13 =	vnsel vm3, $0x0, v13;
	v11 =	vmul.f32 v11, v12  }
0x218: {  	v9 =	vadd.f32 v16, v9;
	(erf) = vrcp.f32 v15;
	v10 =	vadd.f32 v13, v10  }
0x219: {  	v12 =	vsel vm2, $0x3F800000, v1;
	(erf) = vrcp.f32 v23;
	v11 =	vnsel vm2, $0x0, v11  }
0x21a: {  	v17 =	vand.u32 $0x7FFFFFFF, v14;
	v9 =	vadd.f32 v12, v9;
	v10 =	vadd.f32 v11, v10  }
0x21b: {  	(erf) = vrcp.f32 v17  }
0x21c: {  	v22 =	vperm.xlane v0, v5;
	v12 =	vperm.xlane v4, v5;
	v11 =	vmov s2  }
0x21d: {  	s3 =	sadd.s32 $0x3, s2;
	v25 =	vperm.xlane v0, v6;
	vm2 =	vlt.u32 v5, v3;
	v24 =	vperm.xlane v2, v11;
	v5 =	vmovc v11  }
0x21e: {  	s4 =	sadd.s32 $0x2, s2;
	v27 =	vperm.xlane v0, v7;
	v26 =	vperm.xlane v0, v8;
	v11 =	vmov s3  }
0x21f: {  	v28 =	vperm.xlane v4, v6;
	v16 =	vperm.xlane v4, v7;
	v13 =	vmov s4;
	s3 =	sadd.s32 $0x1, s2;
	v29 =	vpop (erf)  }
0x220: {  	v30 =	vmov s3;
	v19 =	vmul.f32 v29, v19;
	v29 =	vperm.xlane v4, v8  }
0x221: {  	vm6 =	vlt.u32 v6, v3;
	v31 =	vperm.xlane v2, v13;
	v32 =	vperm.xlane v2, v11;
	v6 =	vpop (erf)  }
0x222: {  	vm3 =	vlt.u32 v7, v3;
	v12 =	vmul.f32 v19, v12;
	v21 =	vmul.f32 v6, v21;
	v6 =	vpop (erf)  }
0x223: {  	vm1 =	vlt.u32 v8, v3;
	v33 =	vperm.xlane v2, v30;
	v18 =	vmul.f32 v6, v18;
	v6 =	vmovc v11  }
0x224: {  	v35 =	vmul.f32 v19, v4;
	v34 =	vand.u32 $0x7FFFFFFF, v12;
	v11 =	vmul.f32 v21, v29;
	v7 =	vpop (erf)  }
0x225: {  	v19 =	vmul.f32 v21, v4;
	v12 =	vadd.f32 v34, v20;
	v14 =	vmul.f32 v7, v14;
	v7 =	vmovc v13  }
0x226: {  	v8 =	vmovc v30;
	v20 =	vand.u32 $0x7FFFFFFF, v35;
	v13 =	vmul.f32 v18, v16;
	v11 =	vand.u32 $0x7FFFFFFF, v11  }
0x227: {  	v18 =	vmul.f32 v18, v4;
	v12 =	vadd.f32 v12, v20;
	v16 =	vadd.f32 v11, v15  }
0x228: {  	v15 =	vand.u32 $0x7FFFFFFF, v19;
	v13 =	vand.u32 $0x7FFFFFFF, v13;
	v19 =	vmul.f32 v14, v28  }
0x229: {  	v23 =	vadd.f32 v13, v23;
	v21 =	vadd.f32 v16, v15;
	(erf) = vrcp.f32 v12  }
0x22a: {  	v14 =	vmul.f32 v14, v4;
	v16 =	vand.u32 $0x7FFFFFFF, v18;
	v12 =	vand.u32 $0x7FFFFFFF, v19  }
0x22b: {  	v18 =	vadd.f32 v23, v16;
	v23 =	vadd.f32 v12, v17;
	(erf) = vrcp.f32 v21  }
0x22c: {  	vm4 =	vgt.f32 v22, $0.0e+00;
	v19 =	vsub.f32 v2, v24;
	v17 =	vand.u32 $0x7FFFFFFF, v14  }
0x22d: {  	vm5 =	vgt.f32 v25, $0.0e+00;
	v21 =	vadd.f32 v23, v17;
	(erf) = vrcp.f32 v18  }
.Ltmp2:
0x22e: {  	vm8 =	vgt.f32 v27, $0.0e+00;
	vm7 =	vgt.f32 v26, $0.0e+00;
	vm4 =	vmand vm4, vm0;
	(pc) =	sbr.rel @p0 .LBB2_6-.Ltmp2, $4  }
0x22f: {  	v14 =	vsub.f32 v2, v32;
	v18 =	vsub.f32 v2, v31;
	(erf) = vrcp.f32 v21  }
0x230: {  	vm8 =	vmand vm8, vm0;
	vm9 =	vmand vm5, vm0;
	v21 =	vsub.f32 v2, v33  }
0x231: {  	vm5 =	vmand vm7, vm0;
	vm4 =	vmand vm4, vm2;
	v22 =	vadd.f32 v20, v34  }
0x232: {  	vm3 =	vmand vm8, vm3;
	vm2 =	vmand vm9, vm6;
	s2 =	sadd.s32 $0x4, s2;
	v20 =	vand.u32 $0x7FFFFFFF, v19;
	v23 =	vpop (erf)  }
0x233: {  	(erf) = vrcp.f32 v20  }
0x234: {  	v24 =	vand.u32 $0x7FFFFFFF, v21  }
0x235: {  	v25 =	vand.u32 $0x7FFFFFFF, v18;
	(erf) = vrcp.f32 v24  }
0x236: {  	v26 =	vand.u32 $0x7FFFFFFF, v14;
	(erf) = vrcp.f32 v25  }
0x237: {  	(erf) = vrcp.f32 v26;
	_ =	sdelay $0x1  }
0x238: {  	v27 =	vpop (erf)  }
0x239: {  	v28 =	vpop (erf)  }
0x23a: {  	v29 =	vpop (erf)  }
0x23b: {  	v31 =	vperm.xlane v4, v5;
	v30 =	vpop (erf)  }
0x23c: {  	v54 =	vperm.xlane v4, v7;
	v19 =	vmul.f32 v30, v19  }
0x23d: {  	v32 =	vperm.xlane v4, v8;
	v60 =	vperm.xlane v4, v6;
	v33 =	vpop (erf)  }
0x23e: {  	v55 =	vmul.f32 v33, v21;
	v56 =	vpop (erf);
	v31 =	vmul.f32 v19, v31  }
0x23f: {  	v57 =	vmul.f32 v56, v18;
	v19 =	vmul.f32 v19, v4;
	v58 =	vpop (erf)  }
0x240: {  	v32 =	vmul.f32 v55, v32;
	v59 =	vmul.f32 v58, v14  }
0x241: {  	v21 =	vmul.f32 v55, v4;
	v31 =	vand.u32 $0x7FFFFFFF, v31;
	v19 =	vand.u32 $0x7FFFFFFF, v19  }
0x242: {  	v30 =	vmul.f32 v57, v54;
	v18 =	vmul.f32 v57, v4;
	v61 =	vadd.f32 v31, v20  }
0x243: {  	v32 =	vand.u32 $0x7FFFFFFF, v32;
	v33 =	vmul.f32 v59, v60;
	v21 =	vand.u32 $0x7FFFFFFF, v21  }
0x244: {  	v14 =	vmul.f32 v59, v4;
	v24 =	vadd.f32 v32, v24;
	v30 =	vand.u32 $0x7FFFFFFF, v30  }
0x245: {  	v20 =	vadd.f32 v61, v19;
	v25 =	vadd.f32 v30, v25;
	v33 =	vand.u32 $0x7FFFFFFF, v33  }
0x246: {  	v18 =	vand.u32 $0x7FFFFFFF, v18;
	v24 =	vadd.f32 v24, v21;
	v26 =	vadd.f32 v33, v26  }
0x247: {  	v14 =	vand.u32 $0x7FFFFFFF, v14;
	(erf) = vrcp.f32 v20;
	v62 =	vadd.f32 v25, v18  }
0x248: {  	v2 =	vsub.f32 $0.0e+00, v2;
	(erf) = vrcp.f32 v24;
	v63 =	vadd.f32 v26, v14  }
0x249: {  	(erf) = vrcp.f32 v62  }
0x24a: {  	v25 =	vand.u32 $0x7FFFFFFF, v2;
	(erf) = vrcp.f32 v63  }
0x24b: {  	(erf) = vrcp.f32 v25;
	_ =	sdelay $0x4  }
0x24c: {  	v22 =	vmul.f32 v23, v22;
	v11 =	vadd.f32 v15, v11;
	v13 =	vadd.f32 v16, v13;
	v26 =	vpop (erf)  }
0x24d: {  	vm1 =	vmand vm5, vm1;
	v12 =	vadd.f32 v17, v12;
	v40 =	vsel vm3, $0x3F800000, v1;
	v34 =	vpop (erf)  }
0x24e: {  	v41 =	vsel vm2, $0x3F800000, v1;
	v43 =	vperm.xlane v0, v5;
	v44 =	vperm.xlane v0, v6;
	v35 =	vpop (erf)  }
0x24f: {  	vm14 =	vlt.u32 v5, v3;
	v45 =	vperm.xlane v0, v8;
	v47 =	vperm.xlane v0, v7;
	v37 =	vpop (erf)  }
0x250: {  	vm15 =	vlt.u32 v7, v3;
	vm13 =	vlt.u32 v8, v3;
	v36 =	vsel vm1, $0x3F800000, v1;
	v39 =	vpop (erf)  }
0x251: {  	v11 =	vmul.f32 v27, v11;
	v22 =	vnsel vm4, $0x0, v22;
	v2 =	vmul.f32 v39, v2  }
0x252: {  	v27 =	vsel vm4, $0x3F800000, v1;
	vm12 =	vgt.f32 v43, $0.0e+00;
	vm6 =	vgt.f32 v44, $0.0e+00  }
0x253: {  	vm7 =	vgt.f32 v47, $0.0e+00;
	vm8 =	vgt.f32 v45, $0.0e+00;
	v42 =	vmul.f32 v4, v2  }
0x254: {  	v10 =	vadd.f32 v22, v10;
	v9 =	vadd.f32 v27, v9;
	vm4 =	vmand vm12, vm0  }
0x255: {  	vm7 =	vmand vm7, vm0;
	v2 =	vmul.f32 $0.0e+00, v2;
	v4 =	vand.u32 $0x7FFFFFFF, v42  }
0x256: {  	v11 =	vnsel vm1, $0x0, v11;
	v13 =	vmul.f32 v28, v13;
	v46 =	vadd.f32 v4, v25  }
0x257: {  	vm6 =	vmand vm6, vm0;
	v10 =	vadd.f32 v11, v10;
	v2 =	vand.u32 $0x7FFFFFFF, v2  }
0x258: {  	v9 =	vadd.f32 v36, v9;
	v13 =	vnsel vm3, $0x0, v13;
	v48 =	vadd.f32 v46, v2  }
0x259: {  	vm1 =	vlt.u32 v6, v3;
	v38 =	vmul.f32 v29, v12;
	v10 =	vadd.f32 v13, v10  }
0x25a: {  	v9 =	vadd.f32 v40, v9;
	v49 =	vadd.f32 v19, v31;
	(erf) = vrcp.f32 v48  }
0x25b: {  	v11 =	vnsel vm2, $0x0, v38;
	vm2 =	vmand vm4, vm14;
	vm14 =	vmand vm8, vm0  }
0x25c: {  	v10 =	vadd.f32 v11, v10;
	v50 =	vadd.f32 v21, v32;
	v0 =	vmul.f32 v26, v49  }
0x25d: {  	v9 =	vadd.f32 v41, v9;
	vm4 =	vmand vm14, vm13;
	v51 =	vsel vm2, $0x3F800000, v1  }
0x25e: {  	v52 =	vadd.f32 v18, v30;
	v3 =	vmul.f32 v34, v50;
	v0 =	vnsel vm2, $0x0, v0  }
0x25f: {  	v53 =	vsel vm4, $0x3F800000, v1;
	v5 =	vadd.f32 v51, v9;
	v0 =	vadd.f32 v0, v10  }
0x260: {  	v54 =	vadd.f32 v14, v33;
	v6 =	vmul.f32 v35, v52;
	v3 =	vnsel vm4, $0x0, v3  }
0x261: {  	vm15 =	vmand vm7, vm15;
	v55 =	vadd.f32 v53, v5;
	v0 =	vadd.f32 v3, v0  }
0x262: {  	v57 =	vmul.f32 v37, v54;
	v56 =	vnsel vm15, $0x0, v6;
	v2 =	vadd.f32 v4, v2  }
0x263: {  	vm1 =	vmand vm6, vm1;
	v58 =	vsel vm15, $0x3F800000, v1;
	v0 =	vadd.f32 v56, v0;
	v59 =	vpop (erf)  }
0x264: {  	v3 =	vadd.f32 v58, v55;
	v60 =	vnsel vm1, $0x0, v57;
	v2 =	vmul.f32 v59, v2  }
0x265: {  	v61 =	vsel vm1, $0x3F800000, v1;
	v0 =	vadd.f32 v60, v0  }
0x266: {  	v62 =	vimm.f32 $0.0e+00;
	v1 =	vadd.f32 v61, v3;
	v2 =	vnsel vm0, $0x0, v2  }
0x267: {  	v63 =	vsel vm0, $0x3F800000, v62;
	v0 =	vadd.f32 v0, v2  }
0x268: {  	v1 =	vadd.f32 v1, v63  }
0x269: {  	(xrf2) =	vadd.scan.msk.f32 $0xffff, v0  }
0x26a: {  	(xrf2) =	vadd.scan.msk.f32 $0xffff, v1;
	_ =	sdelay $0x8  }
0x26b: {  	v0, _, _ =	vpop (xrf2)  }
0x26c: {  	v1, _, _ =	vpop (xrf2)  }
0x26d: {  	v1 =	vbroadcast v1, $0xF;
	_ =	sdelay $0x1  }
0x26e: {  	(erf) = vrcp.f32 v1;
	_ =	sdelay $0x7  }
0x26f: {  	v0 =	vbroadcast v0, $0xF  }
0x270: {  	v1 =	vpop (erf)  }
0x271: {  	v0 =	vmul.f32 v1, v0;
	_ =	sdelay $0x1  }
0x272: {  	s2 =	simm.s32 $0x0;
	s3 =	simm.s32 $0x3880;
	s31 =	simm.s32 $0x4;
	[tilespmem:$0x3880] =	vst v0  }
0x273: {  	[hbm4b:s1+s2] =	stream.linear.scatter [tilespmem:s3], [sflag:$0x4], $0x1, $0x38;
	[tilespmem:$0x3930] =	vst v63  }
0x274: {  	_ =	swait.ge [sflag:s31], $0x1  }
0x275: {  	[sflag:s31] =	ssyncset.done $0x0  }
0x276: {  	[sflag:s31] =	ssyncadd.s32 $0xFFFFFFFF  }
0x277: {  	_ =	sfence.sel $0x180000  }
0x278: {  	[bflag:$0x0] =	sbarrier.arrive $0xFFFF  }
0x279: {  	_ =	strace $0x90000047  }
0x27a: {  	s0 =	sadd.s32 $0x100000, s0;
	[bflag:$0x2] =	sbarrier.arrive $0xFFFF  }
0x27b: {  	[sflag:s0] =	ssyncadd.tile.s32 $0x1;
	_ =	shalt  }
.Lfunc_end2:
_tile_overlayer_lowered:
.L_overlay_start_2:
0x27c: {  	(tag) =	ssettag $0x2  }
0x27d: {  	s0 =	rddreg [dreg:$0x0];
	s2 =	stileid.u32  }
0x27e: {  	s1 =	rddreg [dreg:$0x1];
	p0 =	sne.s32 s2, $0x0  }
0x27f: {  	s3 =	rddreg [dreg:$0x2];
	[bflag:$0x3] =	sbarrier.arrive $0xFFFF;
	s2 =	simm.s32 @!p0 $0x1C04  }
0x280: {  	[timem:s3], [sflag:s2] =	dma.local @!p0 [hbm:s0], s1  }
0x281: {  	s0 =	simm.s32 @!p0 $0x4  }
0x282: {  	_ =	swait.ge @!p0 [sflag:s0], s1  }
0x283: {  	s1 =	ssub.s32 @!p0 $0x0, s1;
	[sflag:s0] =	ssyncset.done @!p0 $0x0  }
0x284: {  	[sflag:s0] =	ssyncadd.s32 @!p0 s1  }
0x285: {  	[bflag:$0x3] =	sbarrier.arrive $0xFFFF  }
0x286: {  	_ =	shalt  }

</sc_bundles>
